<compile_context>
chip_gen: v7x
topology: tpu7x:2x2x1
jax: 0.10.2.dev20260603
libtpu: 0.0.44.dev20260713+nightly
codegen_flags: <defaults>
</compile_context>

<pallas_src>
import functools

import jax
import jax.numpy as jnp
from jax import lax
from jax.experimental import pallas as pl
from jax.experimental.pallas import tpu as pltpu
from jax.experimental.pallas import tpu_sc as plsc

F = 32
PK = 128 // F
NC = 2
NS = 16
NW = NC * NS
CH = 128


def _gather4_sc(user2d, item2d, t_ug, t_ig, t_um, t_im, B):
    bpw = B // NW
    nch = bpw // CH
    mesh = plsc.VectorSubcoreMesh(core_axis_name="c", subcore_axis_name="s")
    out_t = [jax.ShapeDtypeStruct((B, 128), jnp.float32)] * 4

    @functools.partial(
        pl.kernel,
        out_type=out_t,
        mesh=mesh,
        scratch_types=[
            pltpu.VMEM((nch, CH), jnp.int32),
            pltpu.VMEM((nch, CH), jnp.int32),
            pltpu.VMEM((CH, 128), jnp.float32),
            pltpu.VMEM((CH, 128), jnp.float32),
            pltpu.VMEM((CH, 128), jnp.float32),
            pltpu.VMEM((CH, 128), jnp.float32),
            pltpu.SemaphoreType.DMA,
        ],
    )
    def gather_kernel(u_hbm, i_hbm, tug, tig, tum, tim,
                      o_ug, o_ig, o_um, o_im,
                      idx_u, idx_i, r_ug, r_ig, r_um, r_im, sem):
        wid = lax.axis_index("s") * NC + lax.axis_index("c")
        rowblk = wid * nch
        pltpu.sync_copy(u_hbm.at[pl.ds(rowblk, nch)], idx_u)
        pltpu.sync_copy(i_hbm.at[pl.ds(rowblk, nch)], idx_i)
        for j in range(nch):
            descs = [
                pltpu.async_copy(tug.at[idx_u.at[j]], r_ug, sem),
                pltpu.async_copy(tig.at[idx_i.at[j]], r_ig, sem),
                pltpu.async_copy(tum.at[idx_u.at[j]], r_um, sem),
                pltpu.async_copy(tim.at[idx_i.at[j]], r_im, sem),
            ]
            for d in descs:
                d.wait()
            dst = pl.ds(wid * bpw + j * CH, CH)
            pltpu.sync_copy(r_ug, o_ug.at[dst])
            pltpu.sync_copy(r_ig, o_ig.at[dst])
            pltpu.sync_copy(r_um, o_um.at[dst])
            pltpu.sync_copy(r_im, o_im.at[dst])

    return gather_kernel(user2d, item2d, t_ug, t_ig, t_um, t_im)


def _mish(x):
    return x * jnp.tanh(jax.nn.softplus(x))


def _extract(rows, sel):
    acc = None
    for k in range(PK):
        m = (sel == k).astype(jnp.float32)
        part = rows[:, k * F:(k + 1) * F] * m
        acc = part if acc is None else acc + part
    return acc


def _mlp_body(eug, eig, eum, eim, usel, isel, w0a, w0b, b0r, w1, b1r,
              w2, b2r, wpa, wpb, bpr, out):
    us = usel[...]
    isl = isel[...]
    eu_m = _extract(eum[...], us)
    ei_m = _extract(eim[...], isl)
    h = jnp.dot(eu_m, w0a[...]) + jnp.dot(ei_m, w0b[...]) + b0r[...]
    h = _mish(h)
    h = _mish(jnp.dot(h, w1[...]) + b1r[...])
    h = _mish(jnp.dot(h, w2[...]) + b2r[...])
    g = _extract(eug[...], us) * _extract(eig[...], isl)
    p = (jnp.sum(g * wpa[...], axis=1, keepdims=True)
         + jnp.sum(h * wpb[...], axis=1, keepdims=True) + bpr[...])
    out[...] = _mish(p)


def _mlp_tc(eu_g, ei_g, eu_m, ei_m, usel, isel,
            W0, b0, W1, b1, W2, b2, Wp, bp, B):
    blk = 2048
    grid = (B // blk,)
    w0a = W0[:F]
    w0b = W0[F:]
    wpa = Wp[:F].reshape(1, F)
    wpb = Wp[F:].reshape(1, F)
    b0r = b0.reshape(1, -1)
    b1r = b1.reshape(1, -1)
    b2r = b2.reshape(1, -1)
    bpr = bp.reshape(1, 1)

    def row_spec(d):
        return pl.BlockSpec((blk, d), lambda i: (i, 0))

    def full_spec(a):
        return pl.BlockSpec(a.shape, lambda i: (0,) * a.ndim)

    out = pl.pallas_call(
        _mlp_body,
        grid=grid,
        in_specs=[
            row_spec(128), row_spec(128), row_spec(128), row_spec(128),
            row_spec(1), row_spec(1),
            full_spec(w0a), full_spec(w0b), full_spec(b0r),
            full_spec(W1), full_spec(b1r),
            full_spec(W2), full_spec(b2r),
            full_spec(wpa), full_spec(wpb), full_spec(bpr),
        ],
        out_specs=pl.BlockSpec((blk, 1), lambda i: (i, 0)),
        out_shape=jax.ShapeDtypeStruct((B, 1), jnp.float32),
    )(eu_g, ei_g, eu_m, ei_m, usel, isel,
      w0a, w0b, b0r, W1, b1r, W2, b2r, wpa, wpb, bpr)
    return out.reshape(-1)


def kernel(user, item, embed_user_GMF, embed_item_GMF, embed_user_MLP,
           embed_item_MLP, W0, b0, W1, b1, W2, b2, Wp, bp):
    B = user.shape[0]
    u32 = user.astype(jnp.int32)
    i32 = item.astype(jnp.int32)
    u2 = (u32 // PK).reshape(B // CH, CH)
    i2 = (i32 // PK).reshape(B // CH, CH)
    usel = (u32 % PK).reshape(B, 1)
    isel = (i32 % PK).reshape(B, 1)
    NU = embed_user_GMF.shape[0]
    NI = embed_item_GMF.shape[0]
    tug = embed_user_GMF.reshape(NU // PK, 128)
    tum = embed_user_MLP.reshape(NU // PK, 128)
    tig = embed_item_GMF.reshape(NI // PK, 128)
    tim = embed_item_MLP.reshape(NI // PK, 128)
    eu_g, ei_g, eu_m, ei_m = _gather4_sc(u2, i2, tug, tig, tum, tim, B)
    return _mlp_tc(eu_g, ei_g, eu_m, ei_m, usel, isel,
                   W0, b0, W1, b1, W2, b2, Wp, bp, B)

# --- scband reference (transcript-rebuilt; emitter-appended) ---
"""Pipeline reference for scband-neu-mf-91311004713481 (READ-ONLY COPY).

The authoritative reference and input builder live on the scoring server;
editing this copy changes nothing except your own understanding.
"""

import jax, jax.numpy as jnp
import numpy as np

B = 16384
NU = 1000000
NI = 1000000
F = 32  # num_factor
# MLP with num_layer_mlp=3: 2F->4F->2F->F, predict: 2F->1

def mish(x):
    return x * jnp.tanh(jax.nn.softplus(x))

def setup_inputs(seed: int = 0) -> dict:
    key = jax.random.key(seed)
    ks = jax.random.split(key, 16)
    user = jax.random.randint(ks[0], (B,), 0, NU, dtype=jnp.int64) if jax.config.jax_enable_x64 else jax.random.randint(ks[0], (B,), 0, NU, dtype=jnp.int32)
    item = jax.random.randint(ks[1], (B,), 0, NI, dtype=jnp.int32)
    embed_user_GMF = 0.01 * jax.random.normal(ks[2], (NU, F), dtype=jnp.float32)
    embed_item_GMF = 0.01 * jax.random.normal(ks[3], (NI, F), dtype=jnp.float32)
    embed_user_MLP = 0.01 * jax.random.normal(ks[4], (NU, F), dtype=jnp.float32)
    embed_item_MLP = 0.01 * jax.random.normal(ks[5], (NI, F), dtype=jnp.float32)
    def xavier(k, fan_in, fan_out):
        limit = float(np.sqrt(6.0 / (fan_in + fan_out)))
        return jax.random.uniform(k, (fan_in, fan_out), minval=-limit, maxval=limit, dtype=jnp.float32)
    W0 = xavier(ks[6], 2 * F, 4 * F); b0 = jnp.zeros((4 * F,), jnp.float32)
    W1 = xavier(ks[7], 4 * F, 2 * F); b1 = jnp.zeros((2 * F,), jnp.float32)
    W2 = xavier(ks[8], 2 * F, F); b2 = jnp.zeros((F,), jnp.float32)
    Wp = xavier(ks[9], 2 * F, 1); bp = jnp.zeros((1,), jnp.float32)
    return {
        "user": user, "item": item,
        "embed_user_GMF": embed_user_GMF, "embed_item_GMF": embed_item_GMF,
        "embed_user_MLP": embed_user_MLP, "embed_item_MLP": embed_item_MLP,
        "W0": W0, "b0": b0, "W1": W1, "b1": b1, "W2": W2, "b2": b2,
        "Wp": Wp, "bp": bp,
    }

def reference(user, item, embed_user_GMF, embed_item_GMF, embed_user_MLP, embed_item_MLP, W0, b0, W1, b1, W2, b2, Wp, bp):
    eu_gmf = jnp.take(embed_user_GMF, user, axis=0)
    ei_gmf = jnp.take(embed_item_GMF, item, axis=0)
    output_GMF = eu_gmf * ei_gmf
    eu_mlp = jnp.take(embed_user_MLP, user, axis=0)
    ei_mlp = jnp.take(embed_item_MLP, item, axis=0)
    x = jnp.concatenate([eu_mlp, ei_mlp], axis=-1)
    x = mish(x @ W0 + b0)  # dropout p=0.0 -> identity
    x = mish(x @ W1 + b1)
    x = mish(x @ W2 + b2)
    concat = jnp.concatenate([output_GMF, x], axis=-1)
    prediction = (concat @ Wp + bp).reshape(-1)
    return mish(prediction)

if __name__ == "__main__":
    import jax
    _d = setup_inputs()
    print(jax.jit(kernel)(*tuple(_d.values())))

</pallas_src>

<mosaic_0001>
#map = affine_map<(d0, d1) -> (0, 0)>
module attributes {stable_mosaic.version = 14 : i64} {
  func.func @gather_kernel(%arg0: i32, %arg1: i32, %arg2: memref<128x128xi32, #tpu.memory_space<hbm>>, %arg3: memref<128x128xi32, #tpu.memory_space<hbm>>, %arg4: memref<250000x128xf32, #tpu.memory_space<hbm>>, %arg5: memref<250000x128xf32, #tpu.memory_space<hbm>>, %arg6: memref<250000x128xf32, #tpu.memory_space<hbm>>, %arg7: memref<250000x128xf32, #tpu.memory_space<hbm>>, %arg8: memref<16384x128xf32, #tpu.memory_space<hbm>>, %arg9: memref<16384x128xf32, #tpu.memory_space<hbm>>, %arg10: memref<16384x128xf32, #tpu.memory_space<hbm>>, %arg11: memref<16384x128xf32, #tpu.memory_space<hbm>>, %arg12: memref<4x128xi32, #tpu.memory_space<vmem>>, %arg13: memref<4x128xi32, #tpu.memory_space<vmem>>, %arg14: memref<128x128xf32, #tpu.memory_space<vmem>>, %arg15: memref<128x128xf32, #tpu.memory_space<vmem>>, %arg16: memref<128x128xf32, #tpu.memory_space<vmem>>, %arg17: memref<128x128xf32, #tpu.memory_space<vmem>>, %arg18: memref<!tpu.dma_semaphore, #tpu.memory_space<semaphore_mem>>) attributes {dimension_semantics = [#tpu.dimension_semantics<core_parallel>, #tpu.dimension_semantics<subcore_parallel>], iteration_bounds = array<i64: 2, 16>, scalar_prefetch = 0 : i64, scratch_operands = 7 : i64, tpu.core_type = #tpu.core_type<sc_vector_subcore>, window_params = [{transform_indices = #map}, {transform_indices = #map}, {transform_indices = #map}, {transform_indices = #map}, {transform_indices = #map}, {transform_indices = #map}, {transform_indices = #map}, {transform_indices = #map}, {transform_indices = #map}, {transform_indices = #map}]} {
    %mul3A = arith.constant 2 : i32
    %mul3A_0 = arith.muli %arg1, %mul3A : i32
    %add3A = arith.addi %mul3A_0, %arg0 : i32
    %mul3A_1 = arith.constant 4 : i32
    %mul3A_2 = arith.muli %add3A, %mul3A_1 : i32
    "tpu.region"() ({
      %run_scoped3A = tpu.sem_alloc : memref<!tpu.dma_semaphore, #tpu.memory_space<semaphore_mem>>
      %dma_start3A_241 = arith.constant 0 : i32
      %dma_start3A_242 = tpu.memref_slice %arg2[%mul3A_2, %dma_start3A_241] : memref<128x128xi32, #tpu.memory_space<hbm>> -> memref<4x128xi32, #tpu.memory_space<hbm>>
      %dma_start3A_243 = arith.constant 0 : i32
      %dma_start3A_244 = tpu.memref_slice %arg2[%mul3A_2, %dma_start3A_243] : memref<128x128xi32, #tpu.memory_space<hbm>> -> memref<4x128xi32, #tpu.memory_space<hbm>>
      tpu.enqueue_dma source(%dma_start3A_244 : memref<4x128xi32, #tpu.memory_space<hbm>>) target(%arg12 : memref<4x128xi32, #tpu.memory_space<vmem>>) target_semaphore(%run_scoped3A : memref<!tpu.dma_semaphore, #tpu.memory_space<semaphore_mem>>)
      %dma_wait3A_245 = arith.constant 0 : i32
      %dma_wait3A_246 = tpu.memref_slice %arg2[%mul3A_2, %dma_wait3A_245] : memref<128x128xi32, #tpu.memory_space<hbm>> -> memref<4x128xi32, #tpu.memory_space<hbm>>
      %dma_wait3A_247 = arith.constant 0 : i32
      %dma_wait3A_248 = tpu.memref_slice %arg2[%mul3A_2, %dma_wait3A_247] : memref<128x128xi32, #tpu.memory_space<hbm>> -> memref<4x128xi32, #tpu.memory_space<hbm>>
      tpu.wait_dma2 semaphore(%run_scoped3A : memref<!tpu.dma_semaphore, #tpu.memory_space<semaphore_mem>>) src(%dma_wait3A_248 : memref<4x128xi32, #tpu.memory_space<hbm>>) dst(%arg12 : memref<4x128xi32, #tpu.memory_space<vmem>>)
      tpu.yield
    }) : () -> ()
    "tpu.region"() ({
      %run_scoped3A = tpu.sem_alloc : memref<!tpu.dma_semaphore, #tpu.memory_space<semaphore_mem>>
      %dma_start3A_241 = arith.constant 0 : i32
      %dma_start3A_242 = tpu.memref_slice %arg3[%mul3A_2, %dma_start3A_241] : memref<128x128xi32, #tpu.memory_space<hbm>> -> memref<4x128xi32, #tpu.memory_space<hbm>>
      %dma_start3A_243 = arith.constant 0 : i32
      %dma_start3A_244 = tpu.memref_slice %arg3[%mul3A_2, %dma_start3A_243] : memref<128x128xi32, #tpu.memory_space<hbm>> -> memref<4x128xi32, #tpu.memory_space<hbm>>
      tpu.enqueue_dma source(%dma_start3A_244 : memref<4x128xi32, #tpu.memory_space<hbm>>) target(%arg13 : memref<4x128xi32, #tpu.memory_space<vmem>>) target_semaphore(%run_scoped3A : memref<!tpu.dma_semaphore, #tpu.memory_space<semaphore_mem>>)
      %dma_wait3A_245 = arith.constant 0 : i32
      %dma_wait3A_246 = tpu.memref_slice %arg3[%mul3A_2, %dma_wait3A_245] : memref<128x128xi32, #tpu.memory_space<hbm>> -> memref<4x128xi32, #tpu.memory_space<hbm>>
      %dma_wait3A_247 = arith.constant 0 : i32
      %dma_wait3A_248 = tpu.memref_slice %arg3[%mul3A_2, %dma_wait3A_247] : memref<128x128xi32, #tpu.memory_space<hbm>> -> memref<4x128xi32, #tpu.memory_space<hbm>>
      tpu.wait_dma2 semaphore(%run_scoped3A : memref<!tpu.dma_semaphore, #tpu.memory_space<semaphore_mem>>) src(%dma_wait3A_248 : memref<4x128xi32, #tpu.memory_space<hbm>>) dst(%arg13 : memref<4x128xi32, #tpu.memory_space<vmem>>)
      tpu.yield
    }) : () -> ()
    %dma_start3A = arith.constant 0 : i32
    %dma_start3A_3 = arith.constant 0 : i32
    %dma_start3A_4 = tpu.memref_slice %arg12[%dma_start3A, %dma_start3A_3] : memref<4x128xi32, #tpu.memory_space<vmem>> -> memref<1x128xi32, #tpu.memory_space<vmem>>
    %dma_start3A_5 = tpu.memref_squeeze %dma_start3A_4 : memref<1x128xi32, #tpu.memory_space<vmem>> -> memref<128xi32, #tpu.memory_space<vmem>>
    %dma_start3A_6 = arith.constant 0 : i32
    %dma_start3A_7 = arith.constant 0 : i32
    %dma_start3A_8 = tpu.memref_slice %arg4[%dma_start3A_6, %dma_start3A_7] : memref<250000x128xf32, #tpu.memory_space<hbm>> -> memref<250000x128xf32, #tpu.memory_space<hbm>>
    tpu.enqueue_indirect_dma source(%dma_start3A_8 : memref<250000x128xf32, #tpu.memory_space<hbm>>) target(%arg14 : memref<128x128xf32, #tpu.memory_space<vmem>>) offsets(%dma_start3A_5 : memref<128xi32, #tpu.memory_space<vmem>>) semaphore(%arg18 : memref<!tpu.dma_semaphore, #tpu.memory_space<semaphore_mem>>)
    %dma_start3A_9 = arith.constant 0 : i32
    %dma_start3A_10 = arith.constant 0 : i32
    %dma_start3A_11 = tpu.memref_slice %arg13[%dma_start3A_9, %dma_start3A_10] : memref<4x128xi32, #tpu.memory_space<vmem>> -> memref<1x128xi32, #tpu.memory_space<vmem>>
    %dma_start3A_12 = tpu.memref_squeeze %dma_start3A_11 : memref<1x128xi32, #tpu.memory_space<vmem>> -> memref<128xi32, #tpu.memory_space<vmem>>
    %dma_start3A_13 = arith.constant 0 : i32
    %dma_start3A_14 = arith.constant 0 : i32
    %dma_start3A_15 = tpu.memref_slice %arg5[%dma_start3A_13, %dma_start3A_14] : memref<250000x128xf32, #tpu.memory_space<hbm>> -> memref<250000x128xf32, #tpu.memory_space<hbm>>
    tpu.enqueue_indirect_dma source(%dma_start3A_15 : memref<250000x128xf32, #tpu.memory_space<hbm>>) target(%arg15 : memref<128x128xf32, #tpu.memory_space<vmem>>) offsets(%dma_start3A_12 : memref<128xi32, #tpu.memory_space<vmem>>) semaphore(%arg18 : memref<!tpu.dma_semaphore, #tpu.memory_space<semaphore_mem>>)
    %dma_start3A_16 = arith.constant 0 : i32
    %dma_start3A_17 = arith.constant 0 : i32
    %dma_start3A_18 = tpu.memref_slice %arg12[%dma_start3A_16, %dma_start3A_17] : memref<4x128xi32, #tpu.memory_space<vmem>> -> memref<1x128xi32, #tpu.memory_space<vmem>>
    %dma_start3A_19 = tpu.memref_squeeze %dma_start3A_18 : memref<1x128xi32, #tpu.memory_space<vmem>> -> memref<128xi32, #tpu.memory_space<vmem>>
    %dma_start3A_20 = arith.constant 0 : i32
    %dma_start3A_21 = arith.constant 0 : i32
    %dma_start3A_22 = tpu.memref_slice %arg6[%dma_start3A_20, %dma_start3A_21] : memref<250000x128xf32, #tpu.memory_space<hbm>> -> memref<250000x128xf32, #tpu.memory_space<hbm>>
    tpu.enqueue_indirect_dma source(%dma_start3A_22 : memref<250000x128xf32, #tpu.memory_space<hbm>>) target(%arg16 : memref<128x128xf32, #tpu.memory_space<vmem>>) offsets(%dma_start3A_19 : memref<128xi32, #tpu.memory_space<vmem>>) semaphore(%arg18 : memref<!tpu.dma_semaphore, #tpu.memory_space<semaphore_mem>>)
    %dma_start3A_23 = arith.constant 0 : i32
    %dma_start3A_24 = arith.constant 0 : i32
    %dma_start3A_25 = tpu.memref_slice %arg13[%dma_start3A_23, %dma_start3A_24] : memref<4x128xi32, #tpu.memory_space<vmem>> -> memref<1x128xi32, #tpu.memory_space<vmem>>
    %dma_start3A_26 = tpu.memref_squeeze %dma_start3A_25 : memref<1x128xi32, #tpu.memory_space<vmem>> -> memref<128xi32, #tpu.memory_space<vmem>>
    %dma_start3A_27 = arith.constant 0 : i32
    %dma_start3A_28 = arith.constant 0 : i32
    %dma_start3A_29 = tpu.memref_slice %arg7[%dma_start3A_27, %dma_start3A_28] : memref<250000x128xf32, #tpu.memory_space<hbm>> -> memref<250000x128xf32, #tpu.memory_space<hbm>>
    tpu.enqueue_indirect_dma source(%dma_start3A_29 : memref<250000x128xf32, #tpu.memory_space<hbm>>) target(%arg17 : memref<128x128xf32, #tpu.memory_space<vmem>>) offsets(%dma_start3A_26 : memref<128xi32, #tpu.memory_space<vmem>>) semaphore(%arg18 : memref<!tpu.dma_semaphore, #tpu.memory_space<semaphore_mem>>)
    %dma_wait3A = arith.constant 0 : i32
    %dma_wait3A_30 = arith.constant 0 : i32
    %dma_wait3A_31 = tpu.memref_slice %arg12[%dma_wait3A, %dma_wait3A_30] : memref<4x128xi32, #tpu.memory_space<vmem>> -> memref<1x128xi32, #tpu.memory_space<vmem>>
    %dma_wait3A_32 = tpu.memref_squeeze %dma_wait3A_31 : memref<1x128xi32, #tpu.memory_space<vmem>> -> memref<128xi32, #tpu.memory_space<vmem>>
    %dma_wait3A_33 = arith.constant 0 : i32
    %dma_wait3A_34 = arith.constant 0 : i32
    %dma_wait3A_35 = tpu.memref_slice %arg4[%dma_wait3A_33, %dma_wait3A_34] : memref<250000x128xf32, #tpu.memory_space<hbm>> -> memref<250000x128xf32, #tpu.memory_space<hbm>>
    tpu.wait_indirect_dma semaphore(%arg18 : memref<!tpu.dma_semaphore, #tpu.memory_space<semaphore_mem>>) src(%dma_wait3A_35 : memref<250000x128xf32, #tpu.memory_space<hbm>>) dst(%arg14 : memref<128x128xf32, #tpu.memory_space<vmem>>)
    %dma_wait3A_36 = arith.constant 0 : i32
    %dma_wait3A_37 = arith.constant 0 : i32
    %dma_wait3A_38 = tpu.memref_slice %arg13[%dma_wait3A_36, %dma_wait3A_37] : memref<4x128xi32, #tpu.memory_space<vmem>> -> memref<1x128xi32, #tpu.memory_space<vmem>>
    %dma_wait3A_39 = tpu.memref_squeeze %dma_wait3A_38 : memref<1x128xi32, #tpu.memory_space<vmem>> -> memref<128xi32, #tpu.memory_space<vmem>>
    %dma_wait3A_40 = arith.constant 0 : i32
    %dma_wait3A_41 = arith.constant 0 : i32
    %dma_wait3A_42 = tpu.memref_slice %arg5[%dma_wait3A_40, %dma_wait3A_41] : memref<250000x128xf32, #tpu.memory_space<hbm>> -> memref<250000x128xf32, #tpu.memory_space<hbm>>
    tpu.wait_indirect_dma semaphore(%arg18 : memref<!tpu.dma_semaphore, #tpu.memory_space<semaphore_mem>>) src(%dma_wait3A_42 : memref<250000x128xf32, #tpu.memory_space<hbm>>) dst(%arg15 : memref<128x128xf32, #tpu.memory_space<vmem>>)
    %dma_wait3A_43 = arith.constant 0 : i32
    %dma_wait3A_44 = arith.constant 0 : i32
    %dma_wait3A_45 = tpu.memref_slice %arg12[%dma_wait3A_43, %dma_wait3A_44] : memref<4x128xi32, #tpu.memory_space<vmem>> -> memref<1x128xi32, #tpu.memory_space<vmem>>
    %dma_wait3A_46 = tpu.memref_squeeze %dma_wait3A_45 : memref<1x128xi32, #tpu.memory_space<vmem>> -> memref<128xi32, #tpu.memory_space<vmem>>
    %dma_wait3A_47 = arith.constant 0 : i32
    %dma_wait3A_48 = arith.constant 0 : i32
    %dma_wait3A_49 = tpu.memref_slice %arg6[%dma_wait3A_47, %dma_wait3A_48] : memref<250000x128xf32, #tpu.memory_space<hbm>> -> memref<250000x128xf32, #tpu.memory_space<hbm>>
    tpu.wait_indirect_dma semaphore(%arg18 : memref<!tpu.dma_semaphore, #tpu.memory_space<semaphore_mem>>) src(%dma_wait3A_49 : memref<250000x128xf32, #tpu.memory_space<hbm>>) dst(%arg16 : memref<128x128xf32, #tpu.memory_space<vmem>>)
    %dma_wait3A_50 = arith.constant 0 : i32
    %dma_wait3A_51 = arith.constant 0 : i32
    %dma_wait3A_52 = tpu.memref_slice %arg13[%dma_wait3A_50, %dma_wait3A_51] : memref<4x128xi32, #tpu.memory_space<vmem>> -> memref<1x128xi32, #tpu.memory_space<vmem>>
    %dma_wait3A_53 = tpu.memref_squeeze %dma_wait3A_52 : memref<1x128xi32, #tpu.memory_space<vmem>> -> memref<128xi32, #tpu.memory_space<vmem>>
    %dma_wait3A_54 = arith.constant 0 : i32
    %dma_wait3A_55 = arith.constant 0 : i32
    %dma_wait3A_56 = tpu.memref_slice %arg7[%dma_wait3A_54, %dma_wait3A_55] : memref<250000x128xf32, #tpu.memory_space<hbm>> -> memref<250000x128xf32, #tpu.memory_space<hbm>>
    tpu.wait_indirect_dma semaphore(%arg18 : memref<!tpu.dma_semaphore, #tpu.memory_space<semaphore_mem>>) src(%dma_wait3A_56 : memref<250000x128xf32, #tpu.memory_space<hbm>>) dst(%arg17 : memref<128x128xf32, #tpu.memory_space<vmem>>)
    %mul3A_57 = arith.constant 512 : i32
    %mul3A_58 = arith.muli %add3A, %mul3A_57 : i32
    %add3A_59 = arith.constant 0 : i32
    %add3A_60 = arith.addi %mul3A_58, %add3A_59 : i32
    "tpu.region"() ({
      %run_scoped3A = tpu.sem_alloc : memref<!tpu.dma_semaphore, #tpu.memory_space<semaphore_mem>>
      %dma_start3A_241 = arith.constant 0 : i32
      %dma_start3A_242 = tpu.memref_slice %arg8[%add3A_60, %dma_start3A_241] : memref<16384x128xf32, #tpu.memory_space<hbm>> -> memref<128x128xf32, #tpu.memory_space<hbm>>
      %dma_start3A_243 = arith.constant 0 : i32
      %dma_start3A_244 = tpu.memref_slice %arg8[%add3A_60, %dma_start3A_243] : memref<16384x128xf32, #tpu.memory_space<hbm>> -> memref<128x128xf32, #tpu.memory_space<hbm>>
      tpu.enqueue_dma source(%arg14 : memref<128x128xf32, #tpu.memory_space<vmem>>) target(%dma_start3A_244 : memref<128x128xf32, #tpu.memory_space<hbm>>) target_semaphore(%run_scoped3A : memref<!tpu.dma_semaphore, #tpu.memory_space<semaphore_mem>>)
      %dma_wait3A_245 = arith.constant 0 : i32
      %dma_wait3A_246 = tpu.memref_slice %arg8[%add3A_60, %dma_wait3A_245] : memref<16384x128xf32, #tpu.memory_space<hbm>> -> memref<128x128xf32, #tpu.memory_space<hbm>>
      %dma_wait3A_247 = arith.constant 0 : i32
      %dma_wait3A_248 = tpu.memref_slice %arg8[%add3A_60, %dma_wait3A_247] : memref<16384x128xf32, #tpu.memory_space<hbm>> -> memref<128x128xf32, #tpu.memory_space<hbm>>
      tpu.wait_dma2 semaphore(%run_scoped3A : memref<!tpu.dma_semaphore, #tpu.memory_space<semaphore_mem>>) src(%arg14 : memref<128x128xf32, #tpu.memory_space<vmem>>) dst(%dma_wait3A_248 : memref<128x128xf32, #tpu.memory_space<hbm>>)
      tpu.yield
    }) : () -> ()
    "tpu.region"() ({
      %run_scoped3A = tpu.sem_alloc : memref<!tpu.dma_semaphore, #tpu.memory_space<semaphore_mem>>
      %dma_start3A_241 = arith.constant 0 : i32
      %dma_start3A_242 = tpu.memref_slice %arg9[%add3A_60, %dma_start3A_241] : memref<16384x128xf32, #tpu.memory_space<hbm>> -> memref<128x128xf32, #tpu.memory_space<hbm>>
      %dma_start3A_243 = arith.constant 0 : i32
      %dma_start3A_244 = tpu.memref_slice %arg9[%add3A_60, %dma_start3A_243] : memref<16384x128xf32, #tpu.memory_space<hbm>> -> memref<128x128xf32, #tpu.memory_space<hbm>>
      tpu.enqueue_dma source(%arg15 : memref<128x128xf32, #tpu.memory_space<vmem>>) target(%dma_start3A_244 : memref<128x128xf32, #tpu.memory_space<hbm>>) target_semaphore(%run_scoped3A : memref<!tpu.dma_semaphore, #tpu.memory_space<semaphore_mem>>)
      %dma_wait3A_245 = arith.constant 0 : i32
      %dma_wait3A_246 = tpu.memref_slice %arg9[%add3A_60, %dma_wait3A_245] : memref<16384x128xf32, #tpu.memory_space<hbm>> -> memref<128x128xf32, #tpu.memory_space<hbm>>
      %dma_wait3A_247 = arith.constant 0 : i32
      %dma_wait3A_248 = tpu.memref_slice %arg9[%add3A_60, %dma_wait3A_247] : memref<16384x128xf32, #tpu.memory_space<hbm>> -> memref<128x128xf32, #tpu.memory_space<hbm>>
      tpu.wait_dma2 semaphore(%run_scoped3A : memref<!tpu.dma_semaphore, #tpu.memory_space<semaphore_mem>>) src(%arg15 : memref<128x128xf32, #tpu.memory_space<vmem>>) dst(%dma_wait3A_248 : memref<128x128xf32, #tpu.memory_space<hbm>>)
      tpu.yield
    }) : () -> ()
    "tpu.region"() ({
      %run_scoped3A = tpu.sem_alloc : memref<!tpu.dma_semaphore, #tpu.memory_space<semaphore_mem>>
      %dma_start3A_241 = arith.constant 0 : i32
      %dma_start3A_242 = tpu.memref_slice %arg10[%add3A_60, %dma_start3A_241] : memref<16384x128xf32, #tpu.memory_space<hbm>> -> memref<128x128xf32, #tpu.memory_space<hbm>>
      %dma_start3A_243 = arith.constant 0 : i32
      %dma_start3A_244 = tpu.memref_slice %arg10[%add3A_60, %dma_start3A_243] : memref<16384x128xf32, #tpu.memory_space<hbm>> -> memref<128x128xf32, #tpu.memory_space<hbm>>
      tpu.enqueue_dma source(%arg16 : memref<128x128xf32, #tpu.memory_space<vmem>>) target(%dma_start3A_244 : memref<128x128xf32, #tpu.memory_space<hbm>>) target_semaphore(%run_scoped3A : memref<!tpu.dma_semaphore, #tpu.memory_space<semaphore_mem>>)
      %dma_wait3A_245 = arith.constant 0 : i32
      %dma_wait3A_246 = tpu.memref_slice %arg10[%add3A_60, %dma_wait3A_245] : memref<16384x128xf32, #tpu.memory_space<hbm>> -> memref<128x128xf32, #tpu.memory_space<hbm>>
      %dma_wait3A_247 = arith.constant 0 : i32
      %dma_wait3A_248 = tpu.memref_slice %arg10[%add3A_60, %dma_wait3A_247] : memref<16384x128xf32, #tpu.memory_space<hbm>> -> memref<128x128xf32, #tpu.memory_space<hbm>>
      tpu.wait_dma2 semaphore(%run_scoped3A : memref<!tpu.dma_semaphore, #tpu.memory_space<semaphore_mem>>) src(%arg16 : memref<128x128xf32, #tpu.memory_space<vmem>>) dst(%dma_wait3A_248 : memref<128x128xf32, #tpu.memory_space<hbm>>)
      tpu.yield
    }) : () -> ()
    "tpu.region"() ({
      %run_scoped3A = tpu.sem_alloc : memref<!tpu.dma_semaphore, #tpu.memory_space<semaphore_mem>>
      %dma_start3A_241 = arith.constant 0 : i32
      %dma_start3A_242 = tpu.memref_slice %arg11[%add3A_60, %dma_start3A_241] : memref<16384x128xf32, #tpu.memory_space<hbm>> -> memref<128x128xf32, #tpu.memory_space<hbm>>
      %dma_start3A_243 = arith.constant 0 : i32
      %dma_start3A_244 = tpu.memref_slice %arg11[%add3A_60, %dma_start3A_243] : memref<16384x128xf32, #tpu.memory_space<hbm>> -> memref<128x128xf32, #tpu.memory_space<hbm>>
      tpu.enqueue_dma source(%arg17 : memref<128x128xf32, #tpu.memory_space<vmem>>) target(%dma_start3A_244 : memref<128x128xf32, #tpu.memory_space<hbm>>) target_semaphore(%run_scoped3A : memref<!tpu.dma_semaphore, #tpu.memory_space<semaphore_mem>>)
      %dma_wait3A_245 = arith.constant 0 : i32
      %dma_wait3A_246 = tpu.memref_slice %arg11[%add3A_60, %dma_wait3A_245] : memref<16384x128xf32, #tpu.memory_space<hbm>> -> memref<128x128xf32, #tpu.memory_space<hbm>>
      %dma_wait3A_247 = arith.constant 0 : i32
      %dma_wait3A_248 = tpu.memref_slice %arg11[%add3A_60, %dma_wait3A_247] : memref<16384x128xf32, #tpu.memory_space<hbm>> -> memref<128x128xf32, #tpu.memory_space<hbm>>
      tpu.wait_dma2 semaphore(%run_scoped3A : memref<!tpu.dma_semaphore, #tpu.memory_space<semaphore_mem>>) src(%arg17 : memref<128x128xf32, #tpu.memory_space<vmem>>) dst(%dma_wait3A_248 : memref<128x128xf32, #tpu.memory_space<hbm>>)
      tpu.yield
    }) : () -> ()
    %dma_start3A_61 = arith.constant 1 : i32
    %dma_start3A_62 = arith.constant 0 : i32
    %dma_start3A_63 = tpu.memref_slice %arg12[%dma_start3A_61, %dma_start3A_62] : memref<4x128xi32, #tpu.memory_space<vmem>> -> memref<1x128xi32, #tpu.memory_space<vmem>>
    %dma_start3A_64 = tpu.memref_squeeze %dma_start3A_63 : memref<1x128xi32, #tpu.memory_space<vmem>> -> memref<128xi32, #tpu.memory_space<vmem>>
    %dma_start3A_65 = arith.constant 0 : i32
    %dma_start3A_66 = arith.constant 0 : i32
    %dma_start3A_67 = tpu.memref_slice %arg4[%dma_start3A_65, %dma_start3A_66] : memref<250000x128xf32, #tpu.memory_space<hbm>> -> memref<250000x128xf32, #tpu.memory_space<hbm>>
    tpu.enqueue_indirect_dma source(%dma_start3A_67 : memref<250000x128xf32, #tpu.memory_space<hbm>>) target(%arg14 : memref<128x128xf32, #tpu.memory_space<vmem>>) offsets(%dma_start3A_64 : memref<128xi32, #tpu.memory_space<vmem>>) semaphore(%arg18 : memref<!tpu.dma_semaphore, #tpu.memory_space<semaphore_mem>>)
    %dma_start3A_68 = arith.constant 1 : i32
    %dma_start3A_69 = arith.constant 0 : i32
    %dma_start3A_70 = tpu.memref_slice %arg13[%dma_start3A_68, %dma_start3A_69] : memref<4x128xi32, #tpu.memory_space<vmem>> -> memref<1x128xi32, #tpu.memory_space<vmem>>
    %dma_start3A_71 = tpu.memref_squeeze %dma_start3A_70 : memref<1x128xi32, #tpu.memory_space<vmem>> -> memref<128xi32, #tpu.memory_space<vmem>>
    %dma_start3A_72 = arith.constant 0 : i32
    %dma_start3A_73 = arith.constant 0 : i32
    %dma_start3A_74 = tpu.memref_slice %arg5[%dma_start3A_72, %dma_start3A_73] : memref<250000x128xf32, #tpu.memory_space<hbm>> -> memref<250000x128xf32, #tpu.memory_space<hbm>>
    tpu.enqueue_indirect_dma source(%dma_start3A_74 : memref<250000x128xf32, #tpu.memory_space<hbm>>) target(%arg15 : memref<128x128xf32, #tpu.memory_space<vmem>>) offsets(%dma_start3A_71 : memref<128xi32, #tpu.memory_space<vmem>>) semaphore(%arg18 : memref<!tpu.dma_semaphore, #tpu.memory_space<semaphore_mem>>)
    %dma_start3A_75 = arith.constant 1 : i32
    %dma_start3A_76 = arith.constant 0 : i32
    %dma_start3A_77 = tpu.memref_slice %arg12[%dma_start3A_75, %dma_start3A_76] : memref<4x128xi32, #tpu.memory_space<vmem>> -> memref<1x128xi32, #tpu.memory_space<vmem>>
    %dma_start3A_78 = tpu.memref_squeeze %dma_start3A_77 : memref<1x128xi32, #tpu.memory_space<vmem>> -> memref<128xi32, #tpu.memory_space<vmem>>
    %dma_start3A_79 = arith.constant 0 : i32
    %dma_start3A_80 = arith.constant 0 : i32
    %dma_start3A_81 = tpu.memref_slice %arg6[%dma_start3A_79, %dma_start3A_80] : memref<250000x128xf32, #tpu.memory_space<hbm>> -> memref<250000x128xf32, #tpu.memory_space<hbm>>
    tpu.enqueue_indirect_dma source(%dma_start3A_81 : memref<250000x128xf32, #tpu.memory_space<hbm>>) target(%arg16 : memref<128x128xf32, #tpu.memory_space<vmem>>) offsets(%dma_start3A_78 : memref<128xi32, #tpu.memory_space<vmem>>) semaphore(%arg18 : memref<!tpu.dma_semaphore, #tpu.memory_space<semaphore_mem>>)
    %dma_start3A_82 = arith.constant 1 : i32
    %dma_start3A_83 = arith.constant 0 : i32
    %dma_start3A_84 = tpu.memref_slice %arg13[%dma_start3A_82, %dma_start3A_83] : memref<4x128xi32, #tpu.memory_space<vmem>> -> memref<1x128xi32, #tpu.memory_space<vmem>>
    %dma_start3A_85 = tpu.memref_squeeze %dma_start3A_84 : memref<1x128xi32, #tpu.memory_space<vmem>> -> memref<128xi32, #tpu.memory_space<vmem>>
    %dma_start3A_86 = arith.constant 0 : i32
    %dma_start3A_87 = arith.constant 0 : i32
    %dma_start3A_88 = tpu.memref_slice %arg7[%dma_start3A_86, %dma_start3A_87] : memref<250000x128xf32, #tpu.memory_space<hbm>> -> memref<250000x128xf32, #tpu.memory_space<hbm>>
    tpu.enqueue_indirect_dma source(%dma_start3A_88 : memref<250000x128xf32, #tpu.memory_space<hbm>>) target(%arg17 : memref<128x128xf32, #tpu.memory_space<vmem>>) offsets(%dma_start3A_85 : memref<128xi32, #tpu.memory_space<vmem>>) semaphore(%arg18 : memref<!tpu.dma_semaphore, #tpu.memory_space<semaphore_mem>>)
    %dma_wait3A_89 = arith.constant 1 : i32
    %dma_wait3A_90 = arith.constant 0 : i32
    %dma_wait3A_91 = tpu.memref_slice %arg12[%dma_wait3A_89, %dma_wait3A_90] : memref<4x128xi32, #tpu.memory_space<vmem>> -> memref<1x128xi32, #tpu.memory_space<vmem>>
    %dma_wait3A_92 = tpu.memref_squeeze %dma_wait3A_91 : memref<1x128xi32, #tpu.memory_space<vmem>> -> memref<128xi32, #tpu.memory_space<vmem>>
    %dma_wait3A_93 = arith.constant 0 : i32
    %dma_wait3A_94 = arith.constant 0 : i32
    %dma_wait3A_95 = tpu.memref_slice %arg4[%dma_wait3A_93, %dma_wait3A_94] : memref<250000x128xf32, #tpu.memory_space<hbm>> -> memref<250000x128xf32, #tpu.memory_space<hbm>>
    tpu.wait_indirect_dma semaphore(%arg18 : memref<!tpu.dma_semaphore, #tpu.memory_space<semaphore_mem>>) src(%dma_wait3A_95 : memref<250000x128xf32, #tpu.memory_space<hbm>>) dst(%arg14 : memref<128x128xf32, #tpu.memory_space<vmem>>)
    %dma_wait3A_96 = arith.constant 1 : i32
    %dma_wait3A_97 = arith.constant 0 : i32
    %dma_wait3A_98 = tpu.memref_slice %arg13[%dma_wait3A_96, %dma_wait3A_97] : memref<4x128xi32, #tpu.memory_space<vmem>> -> memref<1x128xi32, #tpu.memory_space<vmem>>
    %dma_wait3A_99 = tpu.memref_squeeze %dma_wait3A_98 : memref<1x128xi32, #tpu.memory_space<vmem>> -> memref<128xi32, #tpu.memory_space<vmem>>
    %dma_wait3A_100 = arith.constant 0 : i32
    %dma_wait3A_101 = arith.constant 0 : i32
    %dma_wait3A_102 = tpu.memref_slice %arg5[%dma_wait3A_100, %dma_wait3A_101] : memref<250000x128xf32, #tpu.memory_space<hbm>> -> memref<250000x128xf32, #tpu.memory_space<hbm>>
    tpu.wait_indirect_dma semaphore(%arg18 : memref<!tpu.dma_semaphore, #tpu.memory_space<semaphore_mem>>) src(%dma_wait3A_102 : memref<250000x128xf32, #tpu.memory_space<hbm>>) dst(%arg15 : memref<128x128xf32, #tpu.memory_space<vmem>>)
    %dma_wait3A_103 = arith.constant 1 : i32
    %dma_wait3A_104 = arith.constant 0 : i32
    %dma_wait3A_105 = tpu.memref_slice %arg12[%dma_wait3A_103, %dma_wait3A_104] : memref<4x128xi32, #tpu.memory_space<vmem>> -> memref<1x128xi32, #tpu.memory_space<vmem>>
    %dma_wait3A_106 = tpu.memref_squeeze %dma_wait3A_105 : memref<1x128xi32, #tpu.memory_space<vmem>> -> memref<128xi32, #tpu.memory_space<vmem>>
    %dma_wait3A_107 = arith.constant 0 : i32
    %dma_wait3A_108 = arith.constant 0 : i32
    %dma_wait3A_109 = tpu.memref_slice %arg6[%dma_wait3A_107, %dma_wait3A_108] : memref<250000x128xf32, #tpu.memory_space<hbm>> -> memref<250000x128xf32, #tpu.memory_space<hbm>>
    tpu.wait_indirect_dma semaphore(%arg18 : memref<!tpu.dma_semaphore, #tpu.memory_space<semaphore_mem>>) src(%dma_wait3A_109 : memref<250000x128xf32, #tpu.memory_space<hbm>>) dst(%arg16 : memref<128x128xf32, #tpu.memory_space<vmem>>)
    %dma_wait3A_110 = arith.constant 1 : i32
    %dma_wait3A_111 = arith.constant 0 : i32
    %dma_wait3A_112 = tpu.memref_slice %arg13[%dma_wait3A_110, %dma_wait3A_111] : memref<4x128xi32, #tpu.memory_space<vmem>> -> memref<1x128xi32, #tpu.memory_space<vmem>>
    %dma_wait3A_113 = tpu.memref_squeeze %dma_wait3A_112 : memref<1x128xi32, #tpu.memory_space<vmem>> -> memref<128xi32, #tpu.memory_space<vmem>>
    %dma_wait3A_114 = arith.constant 0 : i32
    %dma_wait3A_115 = arith.constant 0 : i32
    %dma_wait3A_116 = tpu.memref_slice %arg7[%dma_wait3A_114, %dma_wait3A_115] : memref<250000x128xf32, #tpu.memory_space<hbm>> -> memref<250000x128xf32, #tpu.memory_space<hbm>>
    tpu.wait_indirect_dma semaphore(%arg18 : memref<!tpu.dma_semaphore, #tpu.memory_space<semaphore_mem>>) src(%dma_wait3A_116 : memref<250000x128xf32, #tpu.memory_space<hbm>>) dst(%arg17 : memref<128x128xf32, #tpu.memory_space<vmem>>)
    %mul3A_117 = arith.constant 512 : i32
    %mul3A_118 = arith.muli %add3A, %mul3A_117 : i32
    %add3A_119 = arith.constant 128 : i32
    %add3A_120 = arith.addi %mul3A_118, %add3A_119 : i32
    "tpu.region"() ({
      %run_scoped3A = tpu.sem_alloc : memref<!tpu.dma_semaphore, #tpu.memory_space<semaphore_mem>>
      %dma_start3A_241 = arith.constant 0 : i32
      %dma_start3A_242 = tpu.memref_slice %arg8[%add3A_120, %dma_start3A_241] : memref<16384x128xf32, #tpu.memory_space<hbm>> -> memref<128x128xf32, #tpu.memory_space<hbm>>
      %dma_start3A_243 = arith.constant 0 : i32
      %dma_start3A_244 = tpu.memref_slice %arg8[%add3A_120, %dma_start3A_243] : memref<16384x128xf32, #tpu.memory_space<hbm>> -> memref<128x128xf32, #tpu.memory_space<hbm>>
      tpu.enqueue_dma source(%arg14 : memref<128x128xf32, #tpu.memory_space<vmem>>) target(%dma_start3A_244 : memref<128x128xf32, #tpu.memory_space<hbm>>) target_semaphore(%run_scoped3A : memref<!tpu.dma_semaphore, #tpu.memory_space<semaphore_mem>>)
      %dma_wait3A_245 = arith.constant 0 : i32
      %dma_wait3A_246 = tpu.memref_slice %arg8[%add3A_120, %dma_wait3A_245] : memref<16384x128xf32, #tpu.memory_space<hbm>> -> memref<128x128xf32, #tpu.memory_space<hbm>>
      %dma_wait3A_247 = arith.constant 0 : i32
      %dma_wait3A_248 = tpu.memref_slice %arg8[%add3A_120, %dma_wait3A_247] : memref<16384x128xf32, #tpu.memory_space<hbm>> -> memref<128x128xf32, #tpu.memory_space<hbm>>
      tpu.wait_dma2 semaphore(%run_scoped3A : memref<!tpu.dma_semaphore, #tpu.memory_space<semaphore_mem>>) src(%arg14 : memref<128x128xf32, #tpu.memory_space<vmem>>) dst(%dma_wait3A_248 : memref<128x128xf32, #tpu.memory_space<hbm>>)
      tpu.yield
    }) : () -> ()
    "tpu.region"() ({
      %run_scoped3A = tpu.sem_alloc : memref<!tpu.dma_semaphore, #tpu.memory_space<semaphore_mem>>
      %dma_start3A_241 = arith.constant 0 : i32
      %dma_start3A_242 = tpu.memref_slice %arg9[%add3A_120, %dma_start3A_241] : memref<16384x128xf32, #tpu.memory_space<hbm>> -> memref<128x128xf32, #tpu.memory_space<hbm>>
      %dma_start3A_243 = arith.constant 0 : i32
      %dma_start3A_244 = tpu.memref_slice %arg9[%add3A_120, %dma_start3A_243] : memref<16384x128xf32, #tpu.memory_space<hbm>> -> memref<128x128xf32, #tpu.memory_space<hbm>>
      tpu.enqueue_dma source(%arg15 : memref<128x128xf32, #tpu.memory_space<vmem>>) target(%dma_start3A_244 : memref<128x128xf32, #tpu.memory_space<hbm>>) target_semaphore(%run_scoped3A : memref<!tpu.dma_semaphore, #tpu.memory_space<semaphore_mem>>)
      %dma_wait3A_245 = arith.constant 0 : i32
      %dma_wait3A_246 = tpu.memref_slice %arg9[%add3A_120, %dma_wait3A_245] : memref<16384x128xf32, #tpu.memory_space<hbm>> -> memref<128x128xf32, #tpu.memory_space<hbm>>
      %dma_wait3A_247 = arith.constant 0 : i32
      %dma_wait3A_248 = tpu.memref_slice %arg9[%add3A_120, %dma_wait3A_247] : memref<16384x128xf32, #tpu.memory_space<hbm>> -> memref<128x128xf32, #tpu.memory_space<hbm>>
      tpu.wait_dma2 semaphore(%run_scoped3A : memref<!tpu.dma_semaphore, #tpu.memory_space<semaphore_mem>>) src(%arg15 : memref<128x128xf32, #tpu.memory_space<vmem>>) dst(%dma_wait3A_248 : memref<128x128xf32, #tpu.memory_space<hbm>>)
      tpu.yield
    }) : () -> ()
    "tpu.region"() ({
      %run_scoped3A = tpu.sem_alloc : memref<!tpu.dma_semaphore, #tpu.memory_space<semaphore_mem>>
      %dma_start3A_241 = arith.constant 0 : i32
      %dma_start3A_242 = tpu.memref_slice %arg10[%add3A_120, %dma_start3A_241] : memref<16384x128xf32, #tpu.memory_space<hbm>> -> memref<128x128xf32, #tpu.memory_space<hbm>>
      %dma_start3A_243 = arith.constant 0 : i32
      %dma_start3A_244 = tpu.memref_slice %arg10[%add3A_120, %dma_start3A_243] : memref<16384x128xf32, #tpu.memory_space<hbm>> -> memref<128x128xf32, #tpu.memory_space<hbm>>
      tpu.enqueue_dma source(%arg16 : memref<128x128xf32, #tpu.memory_space<vmem>>) target(%dma_start3A_244 : memref<128x128xf32, #tpu.memory_space<hbm>>) target_semaphore(%run_scoped3A : memref<!tpu.dma_semaphore, #tpu.memory_space<semaphore_mem>>)
      %dma_wait3A_245 = arith.constant 0 : i32
      %dma_wait3A_246 = tpu.memref_slice %arg10[%add3A_120, %dma_wait3A_245] : memref<16384x128xf32, #tpu.memory_space<hbm>> -> memref<128x128xf32, #tpu.memory_space<hbm>>
      %dma_wait3A_247 = arith.constant 0 : i32
      %dma_wait3A_248 = tpu.memref_slice %arg10[%add3A_120, %dma_wait3A_247] : memref<16384x128xf32, #tpu.memory_space<hbm>> -> memref<128x128xf32, #tpu.memory_space<hbm>>
      tpu.wait_dma2 semaphore(%run_scoped3A : memref<!tpu.dma_semaphore, #tpu.memory_space<semaphore_mem>>) src(%arg16 : memref<128x128xf32, #tpu.memory_space<vmem>>) dst(%dma_wait3A_248 : memref<128x128xf32, #tpu.memory_space<hbm>>)
      tpu.yield
    }) : () -> ()
    "tpu.region"() ({
      %run_scoped3A = tpu.sem_alloc : memref<!tpu.dma_semaphore, #tpu.memory_space<semaphore_mem>>
      %dma_start3A_241 = arith.constant 0 : i32
      %dma_start3A_242 = tpu.memref_slice %arg11[%add3A_120, %dma_start3A_241] : memref<16384x128xf32, #tpu.memory_space<hbm>> -> memref<128x128xf32, #tpu.memory_space<hbm>>
      %dma_start3A_243 = arith.constant 0 : i32
      %dma_start3A_244 = tpu.memref_slice %arg11[%add3A_120, %dma_start3A_243] : memref<16384x128xf32, #tpu.memory_space<hbm>> -> memref<128x128xf32, #tpu.memory_space<hbm>>
      tpu.enqueue_dma source(%arg17 : memref<128x128xf32, #tpu.memory_space<vmem>>) target(%dma_start3A_244 : memref<128x128xf32, #tpu.memory_space<hbm>>) target_semaphore(%run_scoped3A : memref<!tpu.dma_semaphore, #tpu.memory_space<semaphore_mem>>)
      %dma_wait3A_245 = arith.constant 0 : i32
      %dma_wait3A_246 = tpu.memref_slice %arg11[%add3A_120, %dma_wait3A_245] : memref<16384x128xf32, #tpu.memory_space<hbm>> -> memref<128x128xf32, #tpu.memory_space<hbm>>
      %dma_wait3A_247 = arith.constant 0 : i32
      %dma_wait3A_248 = tpu.memref_slice %arg11[%add3A_120, %dma_wait3A_247] : memref<16384x128xf32, #tpu.memory_space<hbm>> -> memref<128x128xf32, #tpu.memory_space<hbm>>
      tpu.wait_dma2 semaphore(%run_scoped3A : memref<!tpu.dma_semaphore, #tpu.memory_space<semaphore_mem>>) src(%arg17 : memref<128x128xf32, #tpu.memory_space<vmem>>) dst(%dma_wait3A_248 : memref<128x128xf32, #tpu.memory_space<hbm>>)
      tpu.yield
    }) : () -> ()
    %dma_start3A_121 = arith.constant 2 : i32
    %dma_start3A_122 = arith.constant 0 : i32
    %dma_start3A_123 = tpu.memref_slice %arg12[%dma_start3A_121, %dma_start3A_122] : memref<4x128xi32, #tpu.memory_space<vmem>> -> memref<1x128xi32, #tpu.memory_space<vmem>>
    %dma_start3A_124 = tpu.memref_squeeze %dma_start3A_123 : memref<1x128xi32, #tpu.memory_space<vmem>> -> memref<128xi32, #tpu.memory_space<vmem>>
    %dma_start3A_125 = arith.constant 0 : i32
    %dma_start3A_126 = arith.constant 0 : i32
    %dma_start3A_127 = tpu.memref_slice %arg4[%dma_start3A_125, %dma_start3A_126] : memref<250000x128xf32, #tpu.memory_space<hbm>> -> memref<250000x128xf32, #tpu.memory_space<hbm>>
    tpu.enqueue_indirect_dma source(%dma_start3A_127 : memref<250000x128xf32, #tpu.memory_space<hbm>>) target(%arg14 : memref<128x128xf32, #tpu.memory_space<vmem>>) offsets(%dma_start3A_124 : memref<128xi32, #tpu.memory_space<vmem>>) semaphore(%arg18 : memref<!tpu.dma_semaphore, #tpu.memory_space<semaphore_mem>>)
    %dma_start3A_128 = arith.constant 2 : i32
    %dma_start3A_129 = arith.constant 0 : i32
    %dma_start3A_130 = tpu.memref_slice %arg13[%dma_start3A_128, %dma_start3A_129] : memref<4x128xi32, #tpu.memory_space<vmem>> -> memref<1x128xi32, #tpu.memory_space<vmem>>
    %dma_start3A_131 = tpu.memref_squeeze %dma_start3A_130 : memref<1x128xi32, #tpu.memory_space<vmem>> -> memref<128xi32, #tpu.memory_space<vmem>>
    %dma_start3A_132 = arith.constant 0 : i32
    %dma_start3A_133 = arith.constant 0 : i32
    %dma_start3A_134 = tpu.memref_slice %arg5[%dma_start3A_132, %dma_start3A_133] : memref<250000x128xf32, #tpu.memory_space<hbm>> -> memref<250000x128xf32, #tpu.memory_space<hbm>>
    tpu.enqueue_indirect_dma source(%dma_start3A_134 : memref<250000x128xf32, #tpu.memory_space<hbm>>) target(%arg15 : memref<128x128xf32, #tpu.memory_space<vmem>>) offsets(%dma_start3A_131 : memref<128xi32, #tpu.memory_space<vmem>>) semaphore(%arg18 : memref<!tpu.dma_semaphore, #tpu.memory_space<semaphore_mem>>)
    %dma_start3A_135 = arith.constant 2 : i32
    %dma_start3A_136 = arith.constant 0 : i32
    %dma_start3A_137 = tpu.memref_slice %arg12[%dma_start3A_135, %dma_start3A_136] : memref<4x128xi32, #tpu.memory_space<vmem>> -> memref<1x128xi32, #tpu.memory_space<vmem>>
    %dma_start3A_138 = tpu.memref_squeeze %dma_start3A_137 : memref<1x128xi32, #tpu.memory_space<vmem>> -> memref<128xi32, #tpu.memory_space<vmem>>
    %dma_start3A_139 = arith.constant 0 : i32
    %dma_start3A_140 = arith.constant 0 : i32
    %dma_start3A_141 = tpu.memref_slice %arg6[%dma_start3A_139, %dma_start3A_140] : memref<250000x128xf32, #tpu.memory_space<hbm>> -> memref<250000x128xf32, #tpu.memory_space<hbm>>
    tpu.enqueue_indirect_dma source(%dma_start3A_141 : memref<250000x128xf32, #tpu.memory_space<hbm>>) target(%arg16 : memref<128x128xf32, #tpu.memory_space<vmem>>) offsets(%dma_start3A_138 : memref<128xi32, #tpu.memory_space<vmem>>) semaphore(%arg18 : memref<!tpu.dma_semaphore, #tpu.memory_space<semaphore_mem>>)
    %dma_start3A_142 = arith.constant 2 : i32
    %dma_start3A_143 = arith.constant 0 : i32
    %dma_start3A_144 = tpu.memref_slice %arg13[%dma_start3A_142, %dma_start3A_143] : memref<4x128xi32, #tpu.memory_space<vmem>> -> memref<1x128xi32, #tpu.memory_space<vmem>>
    %dma_start3A_145 = tpu.memref_squeeze %dma_start3A_144 : memref<1x128xi32, #tpu.memory_space<vmem>> -> memref<128xi32, #tpu.memory_space<vmem>>
    %dma_start3A_146 = arith.constant 0 : i32
    %dma_start3A_147 = arith.constant 0 : i32
    %dma_start3A_148 = tpu.memref_slice %arg7[%dma_start3A_146, %dma_start3A_147] : memref<250000x128xf32, #tpu.memory_space<hbm>> -> memref<250000x128xf32, #tpu.memory_space<hbm>>
    tpu.enqueue_indirect_dma source(%dma_start3A_148 : memref<250000x128xf32, #tpu.memory_space<hbm>>) target(%arg17 : memref<128x128xf32, #tpu.memory_space<vmem>>) offsets(%dma_start3A_145 : memref<128xi32, #tpu.memory_space<vmem>>) semaphore(%arg18 : memref<!tpu.dma_semaphore, #tpu.memory_space<semaphore_mem>>)
    %dma_wait3A_149 = arith.constant 2 : i32
    %dma_wait3A_150 = arith.constant 0 : i32
    %dma_wait3A_151 = tpu.memref_slice %arg12[%dma_wait3A_149, %dma_wait3A_150] : memref<4x128xi32, #tpu.memory_space<vmem>> -> memref<1x128xi32, #tpu.memory_space<vmem>>
    %dma_wait3A_152 = tpu.memref_squeeze %dma_wait3A_151 : memref<1x128xi32, #tpu.memory_space<vmem>> -> memref<128xi32, #tpu.memory_space<vmem>>
    %dma_wait3A_153 = arith.constant 0 : i32
    %dma_wait3A_154 = arith.constant 0 : i32
    %dma_wait3A_155 = tpu.memref_slice %arg4[%dma_wait3A_153, %dma_wait3A_154] : memref<250000x128xf32, #tpu.memory_space<hbm>> -> memref<250000x128xf32, #tpu.memory_space<hbm>>
    tpu.wait_indirect_dma semaphore(%arg18 : memref<!tpu.dma_semaphore, #tpu.memory_space<semaphore_mem>>) src(%dma_wait3A_155 : memref<250000x128xf32, #tpu.memory_space<hbm>>) dst(%arg14 : memref<128x128xf32, #tpu.memory_space<vmem>>)
    %dma_wait3A_156 = arith.constant 2 : i32
    %dma_wait3A_157 = arith.constant 0 : i32
    %dma_wait3A_158 = tpu.memref_slice %arg13[%dma_wait3A_156, %dma_wait3A_157] : memref<4x128xi32, #tpu.memory_space<vmem>> -> memref<1x128xi32, #tpu.memory_space<vmem>>
    %dma_wait3A_159 = tpu.memref_squeeze %dma_wait3A_158 : memref<1x128xi32, #tpu.memory_space<vmem>> -> memref<128xi32, #tpu.memory_space<vmem>>
    %dma_wait3A_160 = arith.constant 0 : i32
    %dma_wait3A_161 = arith.constant 0 : i32
    %dma_wait3A_162 = tpu.memref_slice %arg5[%dma_wait3A_160, %dma_wait3A_161] : memref<250000x128xf32, #tpu.memory_space<hbm>> -> memref<250000x128xf32, #tpu.memory_space<hbm>>
    tpu.wait_indirect_dma semaphore(%arg18 : memref<!tpu.dma_semaphore, #tpu.memory_space<semaphore_mem>>) src(%dma_wait3A_162 : memref<250000x128xf32, #tpu.memory_space<hbm>>) dst(%arg15 : memref<128x128xf32, #tpu.memory_space<vmem>>)
    %dma_wait3A_163 = arith.constant 2 : i32
    %dma_wait3A_164 = arith.constant 0 : i32
    %dma_wait3A_165 = tpu.memref_slice %arg12[%dma_wait3A_163, %dma_wait3A_164] : memref<4x128xi32, #tpu.memory_space<vmem>> -> memref<1x128xi32, #tpu.memory_space<vmem>>
    %dma_wait3A_166 = tpu.memref_squeeze %dma_wait3A_165 : memref<1x128xi32, #tpu.memory_space<vmem>> -> memref<128xi32, #tpu.memory_space<vmem>>
    %dma_wait3A_167 = arith.constant 0 : i32
    %dma_wait3A_168 = arith.constant 0 : i32
    %dma_wait3A_169 = tpu.memref_slice %arg6[%dma_wait3A_167, %dma_wait3A_168] : memref<250000x128xf32, #tpu.memory_space<hbm>> -> memref<250000x128xf32, #tpu.memory_space<hbm>>
    tpu.wait_indirect_dma semaphore(%arg18 : memref<!tpu.dma_semaphore, #tpu.memory_space<semaphore_mem>>) src(%dma_wait3A_169 : memref<250000x128xf32, #tpu.memory_space<hbm>>) dst(%arg16 : memref<128x128xf32, #tpu.memory_space<vmem>>)
    %dma_wait3A_170 = arith.constant 2 : i32
    %dma_wait3A_171 = arith.constant 0 : i32
    %dma_wait3A_172 = tpu.memref_slice %arg13[%dma_wait3A_170, %dma_wait3A_171] : memref<4x128xi32, #tpu.memory_space<vmem>> -> memref<1x128xi32, #tpu.memory_space<vmem>>
    %dma_wait3A_173 = tpu.memref_squeeze %dma_wait3A_172 : memref<1x128xi32, #tpu.memory_space<vmem>> -> memref<128xi32, #tpu.memory_space<vmem>>
    %dma_wait3A_174 = arith.constant 0 : i32
    %dma_wait3A_175 = arith.constant 0 : i32
    %dma_wait3A_176 = tpu.memref_slice %arg7[%dma_wait3A_174, %dma_wait3A_175] : memref<250000x128xf32, #tpu.memory_space<hbm>> -> memref<250000x128xf32, #tpu.memory_space<hbm>>
    tpu.wait_indirect_dma semaphore(%arg18 : memref<!tpu.dma_semaphore, #tpu.memory_space<semaphore_mem>>) src(%dma_wait3A_176 : memref<250000x128xf32, #tpu.memory_space<hbm>>) dst(%arg17 : memref<128x128xf32, #tpu.memory_space<vmem>>)
    %mul3A_177 = arith.constant 512 : i32
    %mul3A_178 = arith.muli %add3A, %mul3A_177 : i32
    %add3A_179 = arith.constant 256 : i32
    %add3A_180 = arith.addi %mul3A_178, %add3A_179 : i32
    "tpu.region"() ({
      %run_scoped3A = tpu.sem_alloc : memref<!tpu.dma_semaphore, #tpu.memory_space<semaphore_mem>>
      %dma_start3A_241 = arith.constant 0 : i32
      %dma_start3A_242 = tpu.memref_slice %arg8[%add3A_180, %dma_start3A_241] : memref<16384x128xf32, #tpu.memory_space<hbm>> -> memref<128x128xf32, #tpu.memory_space<hbm>>
      %dma_start3A_243 = arith.constant 0 : i32
      %dma_start3A_244 = tpu.memref_slice %arg8[%add3A_180, %dma_start3A_243] : memref<16384x128xf32, #tpu.memory_space<hbm>> -> memref<128x128xf32, #tpu.memory_space<hbm>>
      tpu.enqueue_dma source(%arg14 : memref<128x128xf32, #tpu.memory_space<vmem>>) target(%dma_start3A_244 : memref<128x128xf32, #tpu.memory_space<hbm>>) target_semaphore(%run_scoped3A : memref<!tpu.dma_semaphore, #tpu.memory_space<semaphore_mem>>)
      %dma_wait3A_245 = arith.constant 0 : i32
      %dma_wait3A_246 = tpu.memref_slice %arg8[%add3A_180, %dma_wait3A_245] : memref<16384x128xf32, #tpu.memory_space<hbm>> -> memref<128x128xf32, #tpu.memory_space<hbm>>
      %dma_wait3A_247 = arith.constant 0 : i32
      %dma_wait3A_248 = tpu.memref_slice %arg8[%add3A_180, %dma_wait3A_247] : memref<16384x128xf32, #tpu.memory_space<hbm>> -> memref<128x128xf32, #tpu.memory_space<hbm>>
      tpu.wait_dma2 semaphore(%run_scoped3A : memref<!tpu.dma_semaphore, #tpu.memory_space<semaphore_mem>>) src(%arg14 : memref<128x128xf32, #tpu.memory_space<vmem>>) dst(%dma_wait3A_248 : memref<128x128xf32, #tpu.memory_space<hbm>>)
      tpu.yield
    }) : () -> ()
    "tpu.region"() ({
      %run_scoped3A = tpu.sem_alloc : memref<!tpu.dma_semaphore, #tpu.memory_space<semaphore_mem>>
      %dma_start3A_241 = arith.constant 0 : i32
      %dma_start3A_242 = tpu.memref_slice %arg9[%add3A_180, %dma_start3A_241] : memref<16384x128xf32, #tpu.memory_space<hbm>> -> memref<128x128xf32, #tpu.memory_space<hbm>>
      %dma_start3A_243 = arith.constant 0 : i32
      %dma_start3A_244 = tpu.memref_slice %arg9[%add3A_180, %dma_start3A_243] : memref<16384x128xf32, #tpu.memory_space<hbm>> -> memref<128x128xf32, #tpu.memory_space<hbm>>
      tpu.enqueue_dma source(%arg15 : memref<128x128xf32, #tpu.memory_space<vmem>>) target(%dma_start3A_244 : memref<128x128xf32, #tpu.memory_space<hbm>>) target_semaphore(%run_scoped3A : memref<!tpu.dma_semaphore, #tpu.memory_space<semaphore_mem>>)
      %dma_wait3A_245 = arith.constant 0 : i32
      %dma_wait3A_246 = tpu.memref_slice %arg9[%add3A_180, %dma_wait3A_245] : memref<16384x128xf32, #tpu.memory_space<hbm>> -> memref<128x128xf32, #tpu.memory_space<hbm>>
      %dma_wait3A_247 = arith.constant 0 : i32
      %dma_wait3A_248 = tpu.memref_slice %arg9[%add3A_180, %dma_wait3A_247] : memref<16384x128xf32, #tpu.memory_space<hbm>> -> memref<128x128xf32, #tpu.memory_space<hbm>>
      tpu.wait_dma2 semaphore(%run_scoped3A : memref<!tpu.dma_semaphore, #tpu.memory_space<semaphore_mem>>) src(%arg15 : memref<128x128xf32, #tpu.memory_space<vmem>>) dst(%dma_wait3A_248 : memref<128x128xf32, #tpu.memory_space<hbm>>)
      tpu.yield
    }) : () -> ()
    "tpu.region"() ({
      %run_scoped3A = tpu.sem_alloc : memref<!tpu.dma_semaphore, #tpu.memory_space<semaphore_mem>>
      %dma_start3A_241 = arith.constant 0 : i32
      %dma_start3A_242 = tpu.memref_slice %arg10[%add3A_180, %dma_start3A_241] : memref<16384x128xf32, #tpu.memory_space<hbm>> -> memref<128x128xf32, #tpu.memory_space<hbm>>
      %dma_start3A_243 = arith.constant 0 : i32
      %dma_start3A_244 = tpu.memref_slice %arg10[%add3A_180, %dma_start3A_243] : memref<16384x128xf32, #tpu.memory_space<hbm>> -> memref<128x128xf32, #tpu.memory_space<hbm>>
      tpu.enqueue_dma source(%arg16 : memref<128x128xf32, #tpu.memory_space<vmem>>) target(%dma_start3A_244 : memref<128x128xf32, #tpu.memory_space<hbm>>) target_semaphore(%run_scoped3A : memref<!tpu.dma_semaphore, #tpu.memory_space<semaphore_mem>>)
      %dma_wait3A_245 = arith.constant 0 : i32
      %dma_wait3A_246 = tpu.memref_slice %arg10[%add3A_180, %dma_wait3A_245] : memref<16384x128xf32, #tpu.memory_space<hbm>> -> memref<128x128xf32, #tpu.memory_space<hbm>>
      %dma_wait3A_247 = arith.constant 0 : i32
      %dma_wait3A_248 = tpu.memref_slice %arg10[%add3A_180, %dma_wait3A_247] : memref<16384x128xf32, #tpu.memory_space<hbm>> -> memref<128x128xf32, #tpu.memory_space<hbm>>
      tpu.wait_dma2 semaphore(%run_scoped3A : memref<!tpu.dma_semaphore, #tpu.memory_space<semaphore_mem>>) src(%arg16 : memref<128x128xf32, #tpu.memory_space<vmem>>) dst(%dma_wait3A_248 : memref<128x128xf32, #tpu.memory_space<hbm>>)
      tpu.yield
    }) : () -> ()
    "tpu.region"() ({
      %run_scoped3A = tpu.sem_alloc : memref<!tpu.dma_semaphore, #tpu.memory_space<semaphore_mem>>
      %dma_start3A_241 = arith.constant 0 : i32
      %dma_start3A_242 = tpu.memref_slice %arg11[%add3A_180, %dma_start3A_241] : memref<16384x128xf32, #tpu.memory_space<hbm>> -> memref<128x128xf32, #tpu.memory_space<hbm>>
      %dma_start3A_243 = arith.constant 0 : i32
      %dma_start3A_244 = tpu.memref_slice %arg11[%add3A_180, %dma_start3A_243] : memref<16384x128xf32, #tpu.memory_space<hbm>> -> memref<128x128xf32, #tpu.memory_space<hbm>>
      tpu.enqueue_dma source(%arg17 : memref<128x128xf32, #tpu.memory_space<vmem>>) target(%dma_start3A_244 : memref<128x128xf32, #tpu.memory_space<hbm>>) target_semaphore(%run_scoped3A : memref<!tpu.dma_semaphore, #tpu.memory_space<semaphore_mem>>)
      %dma_wait3A_245 = arith.constant 0 : i32
      %dma_wait3A_246 = tpu.memref_slice %arg11[%add3A_180, %dma_wait3A_245] : memref<16384x128xf32, #tpu.memory_space<hbm>> -> memref<128x128xf32, #tpu.memory_space<hbm>>
      %dma_wait3A_247 = arith.constant 0 : i32
      %dma_wait3A_248 = tpu.memref_slice %arg11[%add3A_180, %dma_wait3A_247] : memref<16384x128xf32, #tpu.memory_space<hbm>> -> memref<128x128xf32, #tpu.memory_space<hbm>>
      tpu.wait_dma2 semaphore(%run_scoped3A : memref<!tpu.dma_semaphore, #tpu.memory_space<semaphore_mem>>) src(%arg17 : memref<128x128xf32, #tpu.memory_space<vmem>>) dst(%dma_wait3A_248 : memref<128x128xf32, #tpu.memory_space<hbm>>)
      tpu.yield
    }) : () -> ()
    %dma_start3A_181 = arith.constant 3 : i32
    %dma_start3A_182 = arith.constant 0 : i32
    %dma_start3A_183 = tpu.memref_slice %arg12[%dma_start3A_181, %dma_start3A_182] : memref<4x128xi32, #tpu.memory_space<vmem>> -> memref<1x128xi32, #tpu.memory_space<vmem>>
    %dma_start3A_184 = tpu.memref_squeeze %dma_start3A_183 : memref<1x128xi32, #tpu.memory_space<vmem>> -> memref<128xi32, #tpu.memory_space<vmem>>
    %dma_start3A_185 = arith.constant 0 : i32
    %dma_start3A_186 = arith.constant 0 : i32
    %dma_start3A_187 = tpu.memref_slice %arg4[%dma_start3A_185, %dma_start3A_186] : memref<250000x128xf32, #tpu.memory_space<hbm>> -> memref<250000x128xf32, #tpu.memory_space<hbm>>
    tpu.enqueue_indirect_dma source(%dma_start3A_187 : memref<250000x128xf32, #tpu.memory_space<hbm>>) target(%arg14 : memref<128x128xf32, #tpu.memory_space<vmem>>) offsets(%dma_start3A_184 : memref<128xi32, #tpu.memory_space<vmem>>) semaphore(%arg18 : memref<!tpu.dma_semaphore, #tpu.memory_space<semaphore_mem>>)
    %dma_start3A_188 = arith.constant 3 : i32
    %dma_start3A_189 = arith.constant 0 : i32
    %dma_start3A_190 = tpu.memref_slice %arg13[%dma_start3A_188, %dma_start3A_189] : memref<4x128xi32, #tpu.memory_space<vmem>> -> memref<1x128xi32, #tpu.memory_space<vmem>>
    %dma_start3A_191 = tpu.memref_squeeze %dma_start3A_190 : memref<1x128xi32, #tpu.memory_space<vmem>> -> memref<128xi32, #tpu.memory_space<vmem>>
    %dma_start3A_192 = arith.constant 0 : i32
    %dma_start3A_193 = arith.constant 0 : i32
    %dma_start3A_194 = tpu.memref_slice %arg5[%dma_start3A_192, %dma_start3A_193] : memref<250000x128xf32, #tpu.memory_space<hbm>> -> memref<250000x128xf32, #tpu.memory_space<hbm>>
    tpu.enqueue_indirect_dma source(%dma_start3A_194 : memref<250000x128xf32, #tpu.memory_space<hbm>>) target(%arg15 : memref<128x128xf32, #tpu.memory_space<vmem>>) offsets(%dma_start3A_191 : memref<128xi32, #tpu.memory_space<vmem>>) semaphore(%arg18 : memref<!tpu.dma_semaphore, #tpu.memory_space<semaphore_mem>>)
    %dma_start3A_195 = arith.constant 3 : i32
    %dma_start3A_196 = arith.constant 0 : i32
    %dma_start3A_197 = tpu.memref_slice %arg12[%dma_start3A_195, %dma_start3A_196] : memref<4x128xi32, #tpu.memory_space<vmem>> -> memref<1x128xi32, #tpu.memory_space<vmem>>
    %dma_start3A_198 = tpu.memref_squeeze %dma_start3A_197 : memref<1x128xi32, #tpu.memory_space<vmem>> -> memref<128xi32, #tpu.memory_space<vmem>>
    %dma_start3A_199 = arith.constant 0 : i32
    %dma_start3A_200 = arith.constant 0 : i32
    %dma_start3A_201 = tpu.memref_slice %arg6[%dma_start3A_199, %dma_start3A_200] : memref<250000x128xf32, #tpu.memory_space<hbm>> -> memref<250000x128xf32, #tpu.memory_space<hbm>>
    tpu.enqueue_indirect_dma source(%dma_start3A_201 : memref<250000x128xf32, #tpu.memory_space<hbm>>) target(%arg16 : memref<128x128xf32, #tpu.memory_space<vmem>>) offsets(%dma_start3A_198 : memref<128xi32, #tpu.memory_space<vmem>>) semaphore(%arg18 : memref<!tpu.dma_semaphore, #tpu.memory_space<semaphore_mem>>)
    %dma_start3A_202 = arith.constant 3 : i32
    %dma_start3A_203 = arith.constant 0 : i32
    %dma_start3A_204 = tpu.memref_slice %arg13[%dma_start3A_202, %dma_start3A_203] : memref<4x128xi32, #tpu.memory_space<vmem>> -> memref<1x128xi32, #tpu.memory_space<vmem>>
    %dma_start3A_205 = tpu.memref_squeeze %dma_start3A_204 : memref<1x128xi32, #tpu.memory_space<vmem>> -> memref<128xi32, #tpu.memory_space<vmem>>
    %dma_start3A_206 = arith.constant 0 : i32
    %dma_start3A_207 = arith.constant 0 : i32
    %dma_start3A_208 = tpu.memref_slice %arg7[%dma_start3A_206, %dma_start3A_207] : memref<250000x128xf32, #tpu.memory_space<hbm>> -> memref<250000x128xf32, #tpu.memory_space<hbm>>
    tpu.enqueue_indirect_dma source(%dma_start3A_208 : memref<250000x128xf32, #tpu.memory_space<hbm>>) target(%arg17 : memref<128x128xf32, #tpu.memory_space<vmem>>) offsets(%dma_start3A_205 : memref<128xi32, #tpu.memory_space<vmem>>) semaphore(%arg18 : memref<!tpu.dma_semaphore, #tpu.memory_space<semaphore_mem>>)
    %dma_wait3A_209 = arith.constant 3 : i32
    %dma_wait3A_210 = arith.constant 0 : i32
    %dma_wait3A_211 = tpu.memref_slice %arg12[%dma_wait3A_209, %dma_wait3A_210] : memref<4x128xi32, #tpu.memory_space<vmem>> -> memref<1x128xi32, #tpu.memory_space<vmem>>
    %dma_wait3A_212 = tpu.memref_squeeze %dma_wait3A_211 : memref<1x128xi32, #tpu.memory_space<vmem>> -> memref<128xi32, #tpu.memory_space<vmem>>
    %dma_wait3A_213 = arith.constant 0 : i32
    %dma_wait3A_214 = arith.constant 0 : i32
    %dma_wait3A_215 = tpu.memref_slice %arg4[%dma_wait3A_213, %dma_wait3A_214] : memref<250000x128xf32, #tpu.memory_space<hbm>> -> memref<250000x128xf32, #tpu.memory_space<hbm>>
    tpu.wait_indirect_dma semaphore(%arg18 : memref<!tpu.dma_semaphore, #tpu.memory_space<semaphore_mem>>) src(%dma_wait3A_215 : memref<250000x128xf32, #tpu.memory_space<hbm>>) dst(%arg14 : memref<128x128xf32, #tpu.memory_space<vmem>>)
    %dma_wait3A_216 = arith.constant 3 : i32
    %dma_wait3A_217 = arith.constant 0 : i32
    %dma_wait3A_218 = tpu.memref_slice %arg13[%dma_wait3A_216, %dma_wait3A_217] : memref<4x128xi32, #tpu.memory_space<vmem>> -> memref<1x128xi32, #tpu.memory_space<vmem>>
    %dma_wait3A_219 = tpu.memref_squeeze %dma_wait3A_218 : memref<1x128xi32, #tpu.memory_space<vmem>> -> memref<128xi32, #tpu.memory_space<vmem>>
    %dma_wait3A_220 = arith.constant 0 : i32
    %dma_wait3A_221 = arith.constant 0 : i32
    %dma_wait3A_222 = tpu.memref_slice %arg5[%dma_wait3A_220, %dma_wait3A_221] : memref<250000x128xf32, #tpu.memory_space<hbm>> -> memref<250000x128xf32, #tpu.memory_space<hbm>>
    tpu.wait_indirect_dma semaphore(%arg18 : memref<!tpu.dma_semaphore, #tpu.memory_space<semaphore_mem>>) src(%dma_wait3A_222 : memref<250000x128xf32, #tpu.memory_space<hbm>>) dst(%arg15 : memref<128x128xf32, #tpu.memory_space<vmem>>)
    %dma_wait3A_223 = arith.constant 3 : i32
    %dma_wait3A_224 = arith.constant 0 : i32
    %dma_wait3A_225 = tpu.memref_slice %arg12[%dma_wait3A_223, %dma_wait3A_224] : memref<4x128xi32, #tpu.memory_space<vmem>> -> memref<1x128xi32, #tpu.memory_space<vmem>>
    %dma_wait3A_226 = tpu.memref_squeeze %dma_wait3A_225 : memref<1x128xi32, #tpu.memory_space<vmem>> -> memref<128xi32, #tpu.memory_space<vmem>>
    %dma_wait3A_227 = arith.constant 0 : i32
    %dma_wait3A_228 = arith.constant 0 : i32
    %dma_wait3A_229 = tpu.memref_slice %arg6[%dma_wait3A_227, %dma_wait3A_228] : memref<250000x128xf32, #tpu.memory_space<hbm>> -> memref<250000x128xf32, #tpu.memory_space<hbm>>
    tpu.wait_indirect_dma semaphore(%arg18 : memref<!tpu.dma_semaphore, #tpu.memory_space<semaphore_mem>>) src(%dma_wait3A_229 : memref<250000x128xf32, #tpu.memory_space<hbm>>) dst(%arg16 : memref<128x128xf32, #tpu.memory_space<vmem>>)
    %dma_wait3A_230 = arith.constant 3 : i32
    %dma_wait3A_231 = arith.constant 0 : i32
    %dma_wait3A_232 = tpu.memref_slice %arg13[%dma_wait3A_230, %dma_wait3A_231] : memref<4x128xi32, #tpu.memory_space<vmem>> -> memref<1x128xi32, #tpu.memory_space<vmem>>
    %dma_wait3A_233 = tpu.memref_squeeze %dma_wait3A_232 : memref<1x128xi32, #tpu.memory_space<vmem>> -> memref<128xi32, #tpu.memory_space<vmem>>
    %dma_wait3A_234 = arith.constant 0 : i32
    %dma_wait3A_235 = arith.constant 0 : i32
    %dma_wait3A_236 = tpu.memref_slice %arg7[%dma_wait3A_234, %dma_wait3A_235] : memref<250000x128xf32, #tpu.memory_space<hbm>> -> memref<250000x128xf32, #tpu.memory_space<hbm>>
    tpu.wait_indirect_dma semaphore(%arg18 : memref<!tpu.dma_semaphore, #tpu.memory_space<semaphore_mem>>) src(%dma_wait3A_236 : memref<250000x128xf32, #tpu.memory_space<hbm>>) dst(%arg17 : memref<128x128xf32, #tpu.memory_space<vmem>>)
    %mul3A_237 = arith.constant 512 : i32
    %mul3A_238 = arith.muli %add3A, %mul3A_237 : i32
    %add3A_239 = arith.constant 384 : i32
    %add3A_240 = arith.addi %mul3A_238, %add3A_239 : i32
    "tpu.region"() ({
      %run_scoped3A = tpu.sem_alloc : memref<!tpu.dma_semaphore, #tpu.memory_space<semaphore_mem>>
      %dma_start3A_241 = arith.constant 0 : i32
      %dma_start3A_242 = tpu.memref_slice %arg8[%add3A_240, %dma_start3A_241] : memref<16384x128xf32, #tpu.memory_space<hbm>> -> memref<128x128xf32, #tpu.memory_space<hbm>>
      %dma_start3A_243 = arith.constant 0 : i32
      %dma_start3A_244 = tpu.memref_slice %arg8[%add3A_240, %dma_start3A_243] : memref<16384x128xf32, #tpu.memory_space<hbm>> -> memref<128x128xf32, #tpu.memory_space<hbm>>
      tpu.enqueue_dma source(%arg14 : memref<128x128xf32, #tpu.memory_space<vmem>>) target(%dma_start3A_244 : memref<128x128xf32, #tpu.memory_space<hbm>>) target_semaphore(%run_scoped3A : memref<!tpu.dma_semaphore, #tpu.memory_space<semaphore_mem>>)
      %dma_wait3A_245 = arith.constant 0 : i32
      %dma_wait3A_246 = tpu.memref_slice %arg8[%add3A_240, %dma_wait3A_245] : memref<16384x128xf32, #tpu.memory_space<hbm>> -> memref<128x128xf32, #tpu.memory_space<hbm>>
      %dma_wait3A_247 = arith.constant 0 : i32
      %dma_wait3A_248 = tpu.memref_slice %arg8[%add3A_240, %dma_wait3A_247] : memref<16384x128xf32, #tpu.memory_space<hbm>> -> memref<128x128xf32, #tpu.memory_space<hbm>>
      tpu.wait_dma2 semaphore(%run_scoped3A : memref<!tpu.dma_semaphore, #tpu.memory_space<semaphore_mem>>) src(%arg14 : memref<128x128xf32, #tpu.memory_space<vmem>>) dst(%dma_wait3A_248 : memref<128x128xf32, #tpu.memory_space<hbm>>)
      tpu.yield
    }) : () -> ()
    "tpu.region"() ({
      %run_scoped3A = tpu.sem_alloc : memref<!tpu.dma_semaphore, #tpu.memory_space<semaphore_mem>>
      %dma_start3A_241 = arith.constant 0 : i32
      %dma_start3A_242 = tpu.memref_slice %arg9[%add3A_240, %dma_start3A_241] : memref<16384x128xf32, #tpu.memory_space<hbm>> -> memref<128x128xf32, #tpu.memory_space<hbm>>
      %dma_start3A_243 = arith.constant 0 : i32
      %dma_start3A_244 = tpu.memref_slice %arg9[%add3A_240, %dma_start3A_243] : memref<16384x128xf32, #tpu.memory_space<hbm>> -> memref<128x128xf32, #tpu.memory_space<hbm>>
      tpu.enqueue_dma source(%arg15 : memref<128x128xf32, #tpu.memory_space<vmem>>) target(%dma_start3A_244 : memref<128x128xf32, #tpu.memory_space<hbm>>) target_semaphore(%run_scoped3A : memref<!tpu.dma_semaphore, #tpu.memory_space<semaphore_mem>>)
      %dma_wait3A_245 = arith.constant 0 : i32
      %dma_wait3A_246 = tpu.memref_slice %arg9[%add3A_240, %dma_wait3A_245] : memref<16384x128xf32, #tpu.memory_space<hbm>> -> memref<128x128xf32, #tpu.memory_space<hbm>>
      %dma_wait3A_247 = arith.constant 0 : i32
      %dma_wait3A_248 = tpu.memref_slice %arg9[%add3A_240, %dma_wait3A_247] : memref<16384x128xf32, #tpu.memory_space<hbm>> -> memref<128x128xf32, #tpu.memory_space<hbm>>
      tpu.wait_dma2 semaphore(%run_scoped3A : memref<!tpu.dma_semaphore, #tpu.memory_space<semaphore_mem>>) src(%arg15 : memref<128x128xf32, #tpu.memory_space<vmem>>) dst(%dma_wait3A_248 : memref<128x128xf32, #tpu.memory_space<hbm>>)
      tpu.yield
    }) : () -> ()
    "tpu.region"() ({
      %run_scoped3A = tpu.sem_alloc : memref<!tpu.dma_semaphore, #tpu.memory_space<semaphore_mem>>
      %dma_start3A_241 = arith.constant 0 : i32
      %dma_start3A_242 = tpu.memref_slice %arg10[%add3A_240, %dma_start3A_241] : memref<16384x128xf32, #tpu.memory_space<hbm>> -> memref<128x128xf32, #tpu.memory_space<hbm>>
      %dma_start3A_243 = arith.constant 0 : i32
      %dma_start3A_244 = tpu.memref_slice %arg10[%add3A_240, %dma_start3A_243] : memref<16384x128xf32, #tpu.memory_space<hbm>> -> memref<128x128xf32, #tpu.memory_space<hbm>>
      tpu.enqueue_dma source(%arg16 : memref<128x128xf32, #tpu.memory_space<vmem>>) target(%dma_start3A_244 : memref<128x128xf32, #tpu.memory_space<hbm>>) target_semaphore(%run_scoped3A : memref<!tpu.dma_semaphore, #tpu.memory_space<semaphore_mem>>)
      %dma_wait3A_245 = arith.constant 0 : i32
      %dma_wait3A_246 = tpu.memref_slice %arg10[%add3A_240, %dma_wait3A_245] : memref<16384x128xf32, #tpu.memory_space<hbm>> -> memref<128x128xf32, #tpu.memory_space<hbm>>
      %dma_wait3A_247 = arith.constant 0 : i32
      %dma_wait3A_248 = tpu.memref_slice %arg10[%add3A_240, %dma_wait3A_247] : memref<16384x128xf32, #tpu.memory_space<hbm>> -> memref<128x128xf32, #tpu.memory_space<hbm>>
      tpu.wait_dma2 semaphore(%run_scoped3A : memref<!tpu.dma_semaphore, #tpu.memory_space<semaphore_mem>>) src(%arg16 : memref<128x128xf32, #tpu.memory_space<vmem>>) dst(%dma_wait3A_248 : memref<128x128xf32, #tpu.memory_space<hbm>>)
      tpu.yield
    }) : () -> ()
    "tpu.region"() ({
      %run_scoped3A = tpu.sem_alloc : memref<!tpu.dma_semaphore, #tpu.memory_space<semaphore_mem>>
      %dma_start3A_241 = arith.constant 0 : i32
      %dma_start3A_242 = tpu.memref_slice %arg11[%add3A_240, %dma_start3A_241] : memref<16384x128xf32, #tpu.memory_space<hbm>> -> memref<128x128xf32, #tpu.memory_space<hbm>>
      %dma_start3A_243 = arith.constant 0 : i32
      %dma_start3A_244 = tpu.memref_slice %arg11[%add3A_240, %dma_start3A_243] : memref<16384x128xf32, #tpu.memory_space<hbm>> -> memref<128x128xf32, #tpu.memory_space<hbm>>
      tpu.enqueue_dma source(%arg17 : memref<128x128xf32, #tpu.memory_space<vmem>>) target(%dma_start3A_244 : memref<128x128xf32, #tpu.memory_space<hbm>>) target_semaphore(%run_scoped3A : memref<!tpu.dma_semaphore, #tpu.memory_space<semaphore_mem>>)
      %dma_wait3A_245 = arith.constant 0 : i32
      %dma_wait3A_246 = tpu.memref_slice %arg11[%add3A_240, %dma_wait3A_245] : memref<16384x128xf32, #tpu.memory_space<hbm>> -> memref<128x128xf32, #tpu.memory_space<hbm>>
      %dma_wait3A_247 = arith.constant 0 : i32
      %dma_wait3A_248 = tpu.memref_slice %arg11[%add3A_240, %dma_wait3A_247] : memref<16384x128xf32, #tpu.memory_space<hbm>> -> memref<128x128xf32, #tpu.memory_space<hbm>>
      tpu.wait_dma2 semaphore(%run_scoped3A : memref<!tpu.dma_semaphore, #tpu.memory_space<semaphore_mem>>) src(%arg17 : memref<128x128xf32, #tpu.memory_space<vmem>>) dst(%dma_wait3A_248 : memref<128x128xf32, #tpu.memory_space<hbm>>)
      tpu.yield
    }) : () -> ()
    return
  }
}

module attributes {stable_mosaic.version = 14 : i64} {
  func.func @_mlp_body(%arg0: i32, %arg1: memref<2048x128xf32, #tpu.memory_space<vmem>>, %arg2: memref<2048x128xf32, #tpu.memory_space<vmem>>, %arg3: memref<2048x128xf32, #tpu.memory_space<vmem>>, %arg4: memref<2048x128xf32, #tpu.memory_space<vmem>>, %arg5: memref<2048x1xi32, #tpu.memory_space<vmem>>, %arg6: memref<2048x1xi32, #tpu.memory_space<vmem>>, %arg7: memref<32x128xf32, #tpu.memory_space<vmem>>, %arg8: memref<32x128xf32, #tpu.memory_space<vmem>>, %arg9: memref<1x128xf32, #tpu.memory_space<vmem>>, %arg10: memref<128x64xf32, #tpu.memory_space<vmem>>, %arg11: memref<1x64xf32, #tpu.memory_space<vmem>>, %arg12: memref<64x32xf32, #tpu.memory_space<vmem>>, %arg13: memref<1x32xf32, #tpu.memory_space<vmem>>, %arg14: memref<1x32xf32, #tpu.memory_space<vmem>>, %arg15: memref<1x32xf32, #tpu.memory_space<vmem>>, %arg16: memref<1x1xf32, #tpu.memory_space<vmem>>, %arg17: memref<2048x1xf32, #tpu.memory_space<vmem>>) attributes {dimension_semantics = [#tpu.dimension_semantics<arbitrary>], iteration_bounds = array<i64: 8>, scalar_prefetch = 0 : i64, scratch_operands = 0 : i64, tpu.core_type = #tpu.core_type<tc>, window_params = [{transform_indices = @transform_0, window_bounds = array<i64: 2048, 128>}, {transform_indices = @transform_1, window_bounds = array<i64: 2048, 128>}, {transform_indices = @transform_2, window_bounds = array<i64: 2048, 128>}, {transform_indices = @transform_3, window_bounds = array<i64: 2048, 128>}, {transform_indices = @transform_4, window_bounds = array<i64: 2048, 1>}, {transform_indices = @transform_5, window_bounds = array<i64: 2048, 1>}, {pipeline_mode = #tpu.pipeline_mode<synchronous>, transform_indices = @transform_6, window_bounds = array<i64: 32, 128>}, {pipeline_mode = #tpu.pipeline_mode<synchronous>, transform_indices = @transform_7, window_bounds = array<i64: 32, 128>}, {pipeline_mode = #tpu.pipeline_mode<synchronous>, transform_indices = @transform_8, window_bounds = array<i64: 1, 128>}, {pipeline_mode = #tpu.pipeline_mode<synchronous>, transform_indices = @transform_9, window_bounds = array<i64: 128, 64>}, {pipeline_mode = #tpu.pipeline_mode<synchronous>, transform_indices = @transform_10, window_bounds = array<i64: 1, 64>}, {pipeline_mode = #tpu.pipeline_mode<synchronous>, transform_indices = @transform_11, window_bounds = array<i64: 64, 32>}, {pipeline_mode = #tpu.pipeline_mode<synchronous>, transform_indices = @transform_12, window_bounds = array<i64: 1, 32>}, {pipeline_mode = #tpu.pipeline_mode<synchronous>, transform_indices = @transform_13, window_bounds = array<i64: 1, 32>}, {pipeline_mode = #tpu.pipeline_mode<synchronous>, transform_indices = @transform_14, window_bounds = array<i64: 1, 32>}, {pipeline_mode = #tpu.pipeline_mode<synchronous>, transform_indices = @transform_15, window_bounds = array<i64: 1, 1>}, {transform_indices = @transform_16, window_bounds = array<i64: 2048, 1>}]} {
    %get3A = arith.constant 0 : index
    %get3A_0 = arith.constant 0 : index
    %get3A_1 = vector.load %arg5[%get3A, %get3A_0] : memref<2048x1xi32, #tpu.memory_space<vmem>>, vector<2048x1xi32>
    %get3A_2 = arith.constant 0 : index
    %get3A_3 = arith.constant 0 : index
    %get3A_4 = vector.load %arg6[%get3A_2, %get3A_3] : memref<2048x1xi32, #tpu.memory_space<vmem>>, vector<2048x1xi32>
    %get3A_5 = arith.constant 0 : index
    %get3A_6 = arith.constant 0 : index
    %get3A_7 = vector.load %arg3[%get3A_5, %get3A_6] : memref<2048x128xf32, #tpu.memory_space<vmem>>, vector<2048x128xf32>
    %eq3A = arith.constant 0 : i32
    %eq3A_8 = vector.broadcast %eq3A : i32 to vector<2048x1xi32>
    %eq3A_9 = arith.cmpi eq, %get3A_1, %eq3A_8 : vector<2048x1xi32>
    %convert_element_type3A = arith.extui %eq3A_9 : vector<2048x1xi1> to vector<2048x1xi32>
    %convert_element_type3A_10 = arith.sitofp %convert_element_type3A : vector<2048x1xi32> to vector<2048x1xf32>
    %slice3A = vector.extract_strided_slice %get3A_7 {offsets = [0, 0], sizes = [2048, 32], strides = [1, 1]} : vector<2048x128xf32> to vector<2048x32xf32>
    %mul3A = vector.broadcast %convert_element_type3A_10 : vector<2048x1xf32> to vector<2048x32xf32>
    %mul3A_11 = arith.mulf %slice3A, %mul3A : vector<2048x32xf32>
    %eq3A_12 = arith.constant 1 : i32
    %eq3A_13 = vector.broadcast %eq3A_12 : i32 to vector<2048x1xi32>
    %eq3A_14 = arith.cmpi eq, %get3A_1, %eq3A_13 : vector<2048x1xi32>
    %convert_element_type3A_15 = arith.extui %eq3A_14 : vector<2048x1xi1> to vector<2048x1xi32>
    %convert_element_type3A_16 = arith.sitofp %convert_element_type3A_15 : vector<2048x1xi32> to vector<2048x1xf32>
    %slice3A_17 = vector.extract_strided_slice %get3A_7 {offsets = [0, 32], sizes = [2048, 32], strides = [1, 1]} : vector<2048x128xf32> to vector<2048x32xf32>
    %mul3A_18 = vector.broadcast %convert_element_type3A_16 : vector<2048x1xf32> to vector<2048x32xf32>
    %mul3A_19 = arith.mulf %slice3A_17, %mul3A_18 : vector<2048x32xf32>
    %add3A = arith.addf %mul3A_11, %mul3A_19 : vector<2048x32xf32>
    %eq3A_20 = arith.constant 2 : i32
    %eq3A_21 = vector.broadcast %eq3A_20 : i32 to vector<2048x1xi32>
    %eq3A_22 = arith.cmpi eq, %get3A_1, %eq3A_21 : vector<2048x1xi32>
    %convert_element_type3A_23 = arith.extui %eq3A_22 : vector<2048x1xi1> to vector<2048x1xi32>
    %convert_element_type3A_24 = arith.sitofp %convert_element_type3A_23 : vector<2048x1xi32> to vector<2048x1xf32>
    %slice3A_25 = vector.extract_strided_slice %get3A_7 {offsets = [0, 64], sizes = [2048, 32], strides = [1, 1]} : vector<2048x128xf32> to vector<2048x32xf32>
    %mul3A_26 = vector.broadcast %convert_element_type3A_24 : vector<2048x1xf32> to vector<2048x32xf32>
    %mul3A_27 = arith.mulf %slice3A_25, %mul3A_26 : vector<2048x32xf32>
    %add3A_28 = arith.addf %add3A, %mul3A_27 : vector<2048x32xf32>
    %eq3A_29 = arith.constant 3 : i32
    %eq3A_30 = vector.broadcast %eq3A_29 : i32 to vector<2048x1xi32>
    %eq3A_31 = arith.cmpi eq, %get3A_1, %eq3A_30 : vector<2048x1xi32>
    %convert_element_type3A_32 = arith.extui %eq3A_31 : vector<2048x1xi1> to vector<2048x1xi32>
    %convert_element_type3A_33 = arith.sitofp %convert_element_type3A_32 : vector<2048x1xi32> to vector<2048x1xf32>
    %slice3A_34 = vector.extract_strided_slice %get3A_7 {offsets = [0, 96], sizes = [2048, 32], strides = [1, 1]} : vector<2048x128xf32> to vector<2048x32xf32>
    %mul3A_35 = vector.broadcast %convert_element_type3A_33 : vector<2048x1xf32> to vector<2048x32xf32>
    %mul3A_36 = arith.mulf %slice3A_34, %mul3A_35 : vector<2048x32xf32>
    %add3A_37 = arith.addf %add3A_28, %mul3A_36 : vector<2048x32xf32>
    %get3A_38 = arith.constant 0 : index
    %get3A_39 = arith.constant 0 : index
    %get3A_40 = vector.load %arg4[%get3A_38, %get3A_39] : memref<2048x128xf32, #tpu.memory_space<vmem>>, vector<2048x128xf32>
    %eq3A_41 = arith.constant 0 : i32
    %eq3A_42 = vector.broadcast %eq3A_41 : i32 to vector<2048x1xi32>
    %eq3A_43 = arith.cmpi eq, %get3A_4, %eq3A_42 : vector<2048x1xi32>
    %convert_element_type3A_44 = arith.extui %eq3A_43 : vector<2048x1xi1> to vector<2048x1xi32>
    %convert_element_type3A_45 = arith.sitofp %convert_element_type3A_44 : vector<2048x1xi32> to vector<2048x1xf32>
    %slice3A_46 = vector.extract_strided_slice %get3A_40 {offsets = [0, 0], sizes = [2048, 32], strides = [1, 1]} : vector<2048x128xf32> to vector<2048x32xf32>
    %mul3A_47 = vector.broadcast %convert_element_type3A_45 : vector<2048x1xf32> to vector<2048x32xf32>
    %mul3A_48 = arith.mulf %slice3A_46, %mul3A_47 : vector<2048x32xf32>
    %eq3A_49 = arith.constant 1 : i32
    %eq3A_50 = vector.broadcast %eq3A_49 : i32 to vector<2048x1xi32>
    %eq3A_51 = arith.cmpi eq, %get3A_4, %eq3A_50 : vector<2048x1xi32>
    %convert_element_type3A_52 = arith.extui %eq3A_51 : vector<2048x1xi1> to vector<2048x1xi32>
    %convert_element_type3A_53 = arith.sitofp %convert_element_type3A_52 : vector<2048x1xi32> to vector<2048x1xf32>
    %slice3A_54 = vector.extract_strided_slice %get3A_40 {offsets = [0, 32], sizes = [2048, 32], strides = [1, 1]} : vector<2048x128xf32> to vector<2048x32xf32>
    %mul3A_55 = vector.broadcast %convert_element_type3A_53 : vector<2048x1xf32> to vector<2048x32xf32>
    %mul3A_56 = arith.mulf %slice3A_54, %mul3A_55 : vector<2048x32xf32>
    %add3A_57 = arith.addf %mul3A_48, %mul3A_56 : vector<2048x32xf32>
    %eq3A_58 = arith.constant 2 : i32
    %eq3A_59 = vector.broadcast %eq3A_58 : i32 to vector<2048x1xi32>
    %eq3A_60 = arith.cmpi eq, %get3A_4, %eq3A_59 : vector<2048x1xi32>
    %convert_element_type3A_61 = arith.extui %eq3A_60 : vector<2048x1xi1> to vector<2048x1xi32>
    %convert_element_type3A_62 = arith.sitofp %convert_element_type3A_61 : vector<2048x1xi32> to vector<2048x1xf32>
    %slice3A_63 = vector.extract_strided_slice %get3A_40 {offsets = [0, 64], sizes = [2048, 32], strides = [1, 1]} : vector<2048x128xf32> to vector<2048x32xf32>
    %mul3A_64 = vector.broadcast %convert_element_type3A_62 : vector<2048x1xf32> to vector<2048x32xf32>
    %mul3A_65 = arith.mulf %slice3A_63, %mul3A_64 : vector<2048x32xf32>
    %add3A_66 = arith.addf %add3A_57, %mul3A_65 : vector<2048x32xf32>
    %eq3A_67 = arith.constant 3 : i32
    %eq3A_68 = vector.broadcast %eq3A_67 : i32 to vector<2048x1xi32>
    %eq3A_69 = arith.cmpi eq, %get3A_4, %eq3A_68 : vector<2048x1xi32>
    %convert_element_type3A_70 = arith.extui %eq3A_69 : vector<2048x1xi1> to vector<2048x1xi32>
    %convert_element_type3A_71 = arith.sitofp %convert_element_type3A_70 : vector<2048x1xi32> to vector<2048x1xf32>
    %slice3A_72 = vector.extract_strided_slice %get3A_40 {offsets = [0, 96], sizes = [2048, 32], strides = [1, 1]} : vector<2048x128xf32> to vector<2048x32xf32>
    %mul3A_73 = vector.broadcast %convert_element_type3A_71 : vector<2048x1xf32> to vector<2048x32xf32>
    %mul3A_74 = arith.mulf %slice3A_72, %mul3A_73 : vector<2048x32xf32>
    %add3A_75 = arith.addf %add3A_66, %mul3A_74 : vector<2048x32xf32>
    %get3A_76 = arith.constant 0 : index
    %get3A_77 = arith.constant 0 : index
    %get3A_78 = vector.load %arg7[%get3A_76, %get3A_77] : memref<32x128xf32, #tpu.memory_space<vmem>>, vector<32x128xf32>
    %dot_general3A = arith.constant dense<0.000000e+00> : vector<2048x128xf32>
    %dot_general3A_79 = tpu.matmul %add3A_37, %get3A_78, %dot_general3A {dimension_numbers = #tpu.dot_dimension_numbers<[1], [0], [0], [1], [0, 0, 1, 1], [], []>, transpose_lhs_hint = false} : vector<2048x32xf32>, vector<32x128xf32>, vector<2048x128xf32> -> vector<2048x128xf32>
    %get3A_80 = arith.constant 0 : index
    %get3A_81 = arith.constant 0 : index
    %get3A_82 = vector.load %arg8[%get3A_80, %get3A_81] : memref<32x128xf32, #tpu.memory_space<vmem>>, vector<32x128xf32>
    %dot_general3A_83 = arith.constant dense<0.000000e+00> : vector<2048x128xf32>
    %dot_general3A_84 = tpu.matmul %add3A_75, %get3A_82, %dot_general3A_83 {dimension_numbers = #tpu.dot_dimension_numbers<[1], [0], [0], [1], [0, 0, 1, 1], [], []>, transpose_lhs_hint = false} : vector<2048x32xf32>, vector<32x128xf32>, vector<2048x128xf32> -> vector<2048x128xf32>
    %add3A_85 = arith.addf %dot_general3A_79, %dot_general3A_84 : vector<2048x128xf32>
    %get3A_86 = arith.constant 0 : index
    %get3A_87 = arith.constant 0 : index
    %get3A_88 = vector.load %arg9[%get3A_86, %get3A_87] : memref<1x128xf32, #tpu.memory_space<vmem>>, vector<1x128xf32>
    %add3A_89 = vector.broadcast %get3A_88 : vector<1x128xf32> to vector<2048x128xf32>
    %add3A_90 = arith.addf %add3A_85, %add3A_89 : vector<2048x128xf32>
    %custom_jvp_call3A = arith.constant 0.000000e+00 : f32
    %max3A = vector.broadcast %custom_jvp_call3A : f32 to vector<2048x128xf32>
    %max3A_91 = arith.maximumf %add3A_90, %max3A : vector<2048x128xf32>
    %sub3A = vector.broadcast %custom_jvp_call3A : f32 to vector<2048x128xf32>
    %sub3A_92 = arith.subf %add3A_90, %sub3A : vector<2048x128xf32>
    %ne3A = arith.cmpf one, %sub3A_92, %sub3A_92 : vector<2048x128xf32>
    %add3A_93 = vector.broadcast %custom_jvp_call3A : f32 to vector<2048x128xf32>
    %add3A_94 = arith.addf %add3A_90, %add3A_93 : vector<2048x128xf32>
    %abs3A = math.absf %sub3A_92 : vector<2048x128xf32>
    %neg3A = arith.constant 0.000000e+00 : f32
    %neg3A_95 = vector.broadcast %neg3A : f32 to vector<2048x128xf32>
    %neg3A_96 = arith.subf %neg3A_95, %abs3A : vector<2048x128xf32>
    %exp3A = math.exp %neg3A_96 : vector<2048x128xf32>
    %log1p3A = math.log1p %exp3A : vector<2048x128xf32>
    %add3A_97 = arith.addf %max3A_91, %log1p3A : vector<2048x128xf32>
    %select_n3A = arith.select %ne3A, %add3A_94, %add3A_97 : vector<2048x128xi1>, vector<2048x128xf32>
    %tanh3A = math.tanh %select_n3A : vector<2048x128xf32>
    %mul3A_98 = arith.mulf %add3A_90, %tanh3A : vector<2048x128xf32>
    %get3A_99 = arith.constant 0 : index
    %get3A_100 = arith.constant 0 : index
    %get3A_101 = vector.load %arg10[%get3A_99, %get3A_100] : memref<128x64xf32, #tpu.memory_space<vmem>>, vector<128x64xf32>
    %dot_general3A_102 = arith.constant dense<0.000000e+00> : vector<2048x64xf32>
    %dot_general3A_103 = tpu.matmul %mul3A_98, %get3A_101, %dot_general3A_102 {dimension_numbers = #tpu.dot_dimension_numbers<[1], [0], [0], [1], [0, 0, 1, 1], [], []>, transpose_lhs_hint = false} : vector<2048x128xf32>, vector<128x64xf32>, vector<2048x64xf32> -> vector<2048x64xf32>
    %get3A_104 = arith.constant 0 : index
    %get3A_105 = arith.constant 0 : index
    %get3A_106 = vector.load %arg11[%get3A_104, %get3A_105] : memref<1x64xf32, #tpu.memory_space<vmem>>, vector<1x64xf32>
    %add3A_107 = vector.broadcast %get3A_106 : vector<1x64xf32> to vector<2048x64xf32>
    %add3A_108 = arith.addf %dot_general3A_103, %add3A_107 : vector<2048x64xf32>
    %custom_jvp_call3A_109 = arith.constant 0.000000e+00 : f32
    %max3A_110 = vector.broadcast %custom_jvp_call3A_109 : f32 to vector<2048x64xf32>
    %max3A_111 = arith.maximumf %add3A_108, %max3A_110 : vector<2048x64xf32>
    %sub3A_112 = vector.broadcast %custom_jvp_call3A_109 : f32 to vector<2048x64xf32>
    %sub3A_113 = arith.subf %add3A_108, %sub3A_112 : vector<2048x64xf32>
    %ne3A_114 = arith.cmpf one, %sub3A_113, %sub3A_113 : vector<2048x64xf32>
    %add3A_115 = vector.broadcast %custom_jvp_call3A_109 : f32 to vector<2048x64xf32>
    %add3A_116 = arith.addf %add3A_108, %add3A_115 : vector<2048x64xf32>
    %abs3A_117 = math.absf %sub3A_113 : vector<2048x64xf32>
    %neg3A_118 = arith.constant 0.000000e+00 : f32
    %neg3A_119 = vector.broadcast %neg3A_118 : f32 to vector<2048x64xf32>
    %neg3A_120 = arith.subf %neg3A_119, %abs3A_117 : vector<2048x64xf32>
    %exp3A_121 = math.exp %neg3A_120 : vector<2048x64xf32>
    %log1p3A_122 = math.log1p %exp3A_121 : vector<2048x64xf32>
    %add3A_123 = arith.addf %max3A_111, %log1p3A_122 : vector<2048x64xf32>
    %select_n3A_124 = arith.select %ne3A_114, %add3A_116, %add3A_123 : vector<2048x64xi1>, vector<2048x64xf32>
    %tanh3A_125 = math.tanh %select_n3A_124 : vector<2048x64xf32>
    %mul3A_126 = arith.mulf %add3A_108, %tanh3A_125 : vector<2048x64xf32>
    %get3A_127 = arith.constant 0 : index
    %get3A_128 = arith.constant 0 : index
    %get3A_129 = vector.load %arg12[%get3A_127, %get3A_128] : memref<64x32xf32, #tpu.memory_space<vmem>>, vector<64x32xf32>
    %dot_general3A_130 = arith.constant dense<0.000000e+00> : vector<2048x32xf32>
    %dot_general3A_131 = tpu.matmul %mul3A_126, %get3A_129, %dot_general3A_130 {dimension_numbers = #tpu.dot_dimension_numbers<[1], [0], [0], [1], [0, 0, 1, 1], [], []>, transpose_lhs_hint = false} : vector<2048x64xf32>, vector<64x32xf32>, vector<2048x32xf32> -> vector<2048x32xf32>
    %get3A_132 = arith.constant 0 : index
    %get3A_133 = arith.constant 0 : index
    %get3A_134 = vector.load %arg13[%get3A_132, %get3A_133] : memref<1x32xf32, #tpu.memory_space<vmem>>, vector<1x32xf32>
    %add3A_135 = vector.broadcast %get3A_134 : vector<1x32xf32> to vector<2048x32xf32>
    %add3A_136 = arith.addf %dot_general3A_131, %add3A_135 : vector<2048x32xf32>
    %custom_jvp_call3A_137 = arith.constant 0.000000e+00 : f32
    %max3A_138 = vector.broadcast %custom_jvp_call3A_137 : f32 to vector<2048x32xf32>
    %max3A_139 = arith.maximumf %add3A_136, %max3A_138 : vector<2048x32xf32>
    %sub3A_140 = vector.broadcast %custom_jvp_call3A_137 : f32 to vector<2048x32xf32>
    %sub3A_141 = arith.subf %add3A_136, %sub3A_140 : vector<2048x32xf32>
    %ne3A_142 = arith.cmpf one, %sub3A_141, %sub3A_141 : vector<2048x32xf32>
    %add3A_143 = vector.broadcast %custom_jvp_call3A_137 : f32 to vector<2048x32xf32>
    %add3A_144 = arith.addf %add3A_136, %add3A_143 : vector<2048x32xf32>
    %abs3A_145 = math.absf %sub3A_141 : vector<2048x32xf32>
    %neg3A_146 = arith.constant 0.000000e+00 : f32
    %neg3A_147 = vector.broadcast %neg3A_146 : f32 to vector<2048x32xf32>
    %neg3A_148 = arith.subf %neg3A_147, %abs3A_145 : vector<2048x32xf32>
    %exp3A_149 = math.exp %neg3A_148 : vector<2048x32xf32>
    %log1p3A_150 = math.log1p %exp3A_149 : vector<2048x32xf32>
    %add3A_151 = arith.addf %max3A_139, %log1p3A_150 : vector<2048x32xf32>
    %select_n3A_152 = arith.select %ne3A_142, %add3A_144, %add3A_151 : vector<2048x32xi1>, vector<2048x32xf32>
    %tanh3A_153 = math.tanh %select_n3A_152 : vector<2048x32xf32>
    %mul3A_154 = arith.mulf %add3A_136, %tanh3A_153 : vector<2048x32xf32>
    %get3A_155 = arith.constant 0 : index
    %get3A_156 = arith.constant 0 : index
    %get3A_157 = vector.load %arg1[%get3A_155, %get3A_156] : memref<2048x128xf32, #tpu.memory_space<vmem>>, vector<2048x128xf32>
    %eq3A_158 = arith.constant 0 : i32
    %eq3A_159 = vector.broadcast %eq3A_158 : i32 to vector<2048x1xi32>
    %eq3A_160 = arith.cmpi eq, %get3A_1, %eq3A_159 : vector<2048x1xi32>
    %convert_element_type3A_161 = arith.extui %eq3A_160 : vector<2048x1xi1> to vector<2048x1xi32>
    %convert_element_type3A_162 = arith.sitofp %convert_element_type3A_161 : vector<2048x1xi32> to vector<2048x1xf32>
    %slice3A_163 = vector.extract_strided_slice %get3A_157 {offsets = [0, 0], sizes = [2048, 32], strides = [1, 1]} : vector<2048x128xf32> to vector<2048x32xf32>
    %mul3A_164 = vector.broadcast %convert_element_type3A_162 : vector<2048x1xf32> to vector<2048x32xf32>
    %mul3A_165 = arith.mulf %slice3A_163, %mul3A_164 : vector<2048x32xf32>
    %eq3A_166 = arith.constant 1 : i32
    %eq3A_167 = vector.broadcast %eq3A_166 : i32 to vector<2048x1xi32>
    %eq3A_168 = arith.cmpi eq, %get3A_1, %eq3A_167 : vector<2048x1xi32>
    %convert_element_type3A_169 = arith.extui %eq3A_168 : vector<2048x1xi1> to vector<2048x1xi32>
    %convert_element_type3A_170 = arith.sitofp %convert_element_type3A_169 : vector<2048x1xi32> to vector<2048x1xf32>
    %slice3A_171 = vector.extract_strided_slice %get3A_157 {offsets = [0, 32], sizes = [2048, 32], strides = [1, 1]} : vector<2048x128xf32> to vector<2048x32xf32>
    %mul3A_172 = vector.broadcast %convert_element_type3A_170 : vector<2048x1xf32> to vector<2048x32xf32>
    %mul3A_173 = arith.mulf %slice3A_171, %mul3A_172 : vector<2048x32xf32>
    %add3A_174 = arith.addf %mul3A_165, %mul3A_173 : vector<2048x32xf32>
    %eq3A_175 = arith.constant 2 : i32
    %eq3A_176 = vector.broadcast %eq3A_175 : i32 to vector<2048x1xi32>
    %eq3A_177 = arith.cmpi eq, %get3A_1, %eq3A_176 : vector<2048x1xi32>
    %convert_element_type3A_178 = arith.extui %eq3A_177 : vector<2048x1xi1> to vector<2048x1xi32>
    %convert_element_type3A_179 = arith.sitofp %convert_element_type3A_178 : vector<2048x1xi32> to vector<2048x1xf32>
    %slice3A_180 = vector.extract_strided_slice %get3A_157 {offsets = [0, 64], sizes = [2048, 32], strides = [1, 1]} : vector<2048x128xf32> to vector<2048x32xf32>
    %mul3A_181 = vector.broadcast %convert_element_type3A_179 : vector<2048x1xf32> to vector<2048x32xf32>
    %mul3A_182 = arith.mulf %slice3A_180, %mul3A_181 : vector<2048x32xf32>
    %add3A_183 = arith.addf %add3A_174, %mul3A_182 : vector<2048x32xf32>
    %eq3A_184 = arith.constant 3 : i32
    %eq3A_185 = vector.broadcast %eq3A_184 : i32 to vector<2048x1xi32>
    %eq3A_186 = arith.cmpi eq, %get3A_1, %eq3A_185 : vector<2048x1xi32>
    %convert_element_type3A_187 = arith.extui %eq3A_186 : vector<2048x1xi1> to vector<2048x1xi32>
    %convert_element_type3A_188 = arith.sitofp %convert_element_type3A_187 : vector<2048x1xi32> to vector<2048x1xf32>
    %slice3A_189 = vector.extract_strided_slice %get3A_157 {offsets = [0, 96], sizes = [2048, 32], strides = [1, 1]} : vector<2048x128xf32> to vector<2048x32xf32>
    %mul3A_190 = vector.broadcast %convert_element_type3A_188 : vector<2048x1xf32> to vector<2048x32xf32>
    %mul3A_191 = arith.mulf %slice3A_189, %mul3A_190 : vector<2048x32xf32>
    %add3A_192 = arith.addf %add3A_183, %mul3A_191 : vector<2048x32xf32>
    %get3A_193 = arith.constant 0 : index
    %get3A_194 = arith.constant 0 : index
    %get3A_195 = vector.load %arg2[%get3A_193, %get3A_194] : memref<2048x128xf32, #tpu.memory_space<vmem>>, vector<2048x128xf32>
    %eq3A_196 = arith.constant 0 : i32
    %eq3A_197 = vector.broadcast %eq3A_196 : i32 to vector<2048x1xi32>
    %eq3A_198 = arith.cmpi eq, %get3A_4, %eq3A_197 : vector<2048x1xi32>
    %convert_element_type3A_199 = arith.extui %eq3A_198 : vector<2048x1xi1> to vector<2048x1xi32>
    %convert_element_type3A_200 = arith.sitofp %convert_element_type3A_199 : vector<2048x1xi32> to vector<2048x1xf32>
    %slice3A_201 = vector.extract_strided_slice %get3A_195 {offsets = [0, 0], sizes = [2048, 32], strides = [1, 1]} : vector<2048x128xf32> to vector<2048x32xf32>
    %mul3A_202 = vector.broadcast %convert_element_type3A_200 : vector<2048x1xf32> to vector<2048x32xf32>
    %mul3A_203 = arith.mulf %slice3A_201, %mul3A_202 : vector<2048x32xf32>
    %eq3A_204 = arith.constant 1 : i32
    %eq3A_205 = vector.broadcast %eq3A_204 : i32 to vector<2048x1xi32>
    %eq3A_206 = arith.cmpi eq, %get3A_4, %eq3A_205 : vector<2048x1xi32>
    %convert_element_type3A_207 = arith.extui %eq3A_206 : vector<2048x1xi1> to vector<2048x1xi32>
    %convert_element_type3A_208 = arith.sitofp %convert_element_type3A_207 : vector<2048x1xi32> to vector<2048x1xf32>
    %slice3A_209 = vector.extract_strided_slice %get3A_195 {offsets = [0, 32], sizes = [2048, 32], strides = [1, 1]} : vector<2048x128xf32> to vector<2048x32xf32>
    %mul3A_210 = vector.broadcast %convert_element_type3A_208 : vector<2048x1xf32> to vector<2048x32xf32>
    %mul3A_211 = arith.mulf %slice3A_209, %mul3A_210 : vector<2048x32xf32>
    %add3A_212 = arith.addf %mul3A_203, %mul3A_211 : vector<2048x32xf32>
    %eq3A_213 = arith.constant 2 : i32
    %eq3A_214 = vector.broadcast %eq3A_213 : i32 to vector<2048x1xi32>
    %eq3A_215 = arith.cmpi eq, %get3A_4, %eq3A_214 : vector<2048x1xi32>
    %convert_element_type3A_216 = arith.extui %eq3A_215 : vector<2048x1xi1> to vector<2048x1xi32>
    %convert_element_type3A_217 = arith.sitofp %convert_element_type3A_216 : vector<2048x1xi32> to vector<2048x1xf32>
    %slice3A_218 = vector.extract_strided_slice %get3A_195 {offsets = [0, 64], sizes = [2048, 32], strides = [1, 1]} : vector<2048x128xf32> to vector<2048x32xf32>
    %mul3A_219 = vector.broadcast %convert_element_type3A_217 : vector<2048x1xf32> to vector<2048x32xf32>
    %mul3A_220 = arith.mulf %slice3A_218, %mul3A_219 : vector<2048x32xf32>
    %add3A_221 = arith.addf %add3A_212, %mul3A_220 : vector<2048x32xf32>
    %eq3A_222 = arith.constant 3 : i32
    %eq3A_223 = vector.broadcast %eq3A_222 : i32 to vector<2048x1xi32>
    %eq3A_224 = arith.cmpi eq, %get3A_4, %eq3A_223 : vector<2048x1xi32>
    %convert_element_type3A_225 = arith.extui %eq3A_224 : vector<2048x1xi1> to vector<2048x1xi32>
    %convert_element_type3A_226 = arith.sitofp %convert_element_type3A_225 : vector<2048x1xi32> to vector<2048x1xf32>
    %slice3A_227 = vector.extract_strided_slice %get3A_195 {offsets = [0, 96], sizes = [2048, 32], strides = [1, 1]} : vector<2048x128xf32> to vector<2048x32xf32>
    %mul3A_228 = vector.broadcast %convert_element_type3A_226 : vector<2048x1xf32> to vector<2048x32xf32>
    %mul3A_229 = arith.mulf %slice3A_227, %mul3A_228 : vector<2048x32xf32>
    %add3A_230 = arith.addf %add3A_221, %mul3A_229 : vector<2048x32xf32>
    %mul3A_231 = arith.mulf %add3A_192, %add3A_230 : vector<2048x32xf32>
    %get3A_232 = arith.constant 0 : index
    %get3A_233 = arith.constant 0 : index
    %get3A_234 = vector.load %arg14[%get3A_232, %get3A_233] : memref<1x32xf32, #tpu.memory_space<vmem>>, vector<1x32xf32>
    %mul3A_235 = vector.broadcast %get3A_234 : vector<1x32xf32> to vector<2048x32xf32>
    %mul3A_236 = arith.mulf %mul3A_231, %mul3A_235 : vector<2048x32xf32>
    %reduce_sum3A = arith.constant dense<0.000000e+00> : vector<2048xf32>
    %reduce_sum3A_237 = vector.multi_reduction <add>, %mul3A_236, %reduce_sum3A [1] : vector<2048x32xf32> to vector<2048xf32>
    %broadcast_in_dim3A = vector.shape_cast %reduce_sum3A_237 : vector<2048xf32> to vector<2048x1xf32>
    %get3A_238 = arith.constant 0 : index
    %get3A_239 = arith.constant 0 : index
    %get3A_240 = vector.load %arg15[%get3A_238, %get3A_239] : memref<1x32xf32, #tpu.memory_space<vmem>>, vector<1x32xf32>
    %mul3A_241 = vector.broadcast %get3A_240 : vector<1x32xf32> to vector<2048x32xf32>
    %mul3A_242 = arith.mulf %mul3A_154, %mul3A_241 : vector<2048x32xf32>
    %reduce_sum3A_243 = arith.constant dense<0.000000e+00> : vector<2048xf32>
    %reduce_sum3A_244 = vector.multi_reduction <add>, %mul3A_242, %reduce_sum3A_243 [1] : vector<2048x32xf32> to vector<2048xf32>
    %broadcast_in_dim3A_245 = vector.shape_cast %reduce_sum3A_244 : vector<2048xf32> to vector<2048x1xf32>
    %add3A_246 = arith.addf %broadcast_in_dim3A, %broadcast_in_dim3A_245 : vector<2048x1xf32>
    %get3A_247 = arith.constant 0 : index
    %get3A_248 = arith.constant 0 : index
    %get3A_249 = vector.load %arg16[%get3A_247, %get3A_248] : memref<1x1xf32, #tpu.memory_space<vmem>>, vector<1x1xf32>
    %add3A_250 = vector.broadcast %get3A_249 : vector<1x1xf32> to vector<2048x1xf32>
    %add3A_251 = arith.addf %add3A_246, %add3A_250 : vector<2048x1xf32>
    %custom_jvp_call3A_252 = arith.constant 0.000000e+00 : f32
    %max3A_253 = vector.broadcast %custom_jvp_call3A_252 : f32 to vector<2048x1xf32>
    %max3A_254 = arith.maximumf %add3A_251, %max3A_253 : vector<2048x1xf32>
    %sub3A_255 = vector.broadcast %custom_jvp_call3A_252 : f32 to vector<2048x1xf32>
    %sub3A_256 = arith.subf %add3A_251, %sub3A_255 : vector<2048x1xf32>
    %ne3A_257 = arith.cmpf one, %sub3A_256, %sub3A_256 : vector<2048x1xf32>
    %add3A_258 = vector.broadcast %custom_jvp_call3A_252 : f32 to vector<2048x1xf32>
    %add3A_259 = arith.addf %add3A_251, %add3A_258 : vector<2048x1xf32>
    %abs3A_260 = math.absf %sub3A_256 : vector<2048x1xf32>
    %neg3A_261 = arith.constant 0.000000e+00 : f32
    %neg3A_262 = vector.broadcast %neg3A_261 : f32 to vector<2048x1xf32>
    %neg3A_263 = arith.subf %neg3A_262, %abs3A_260 : vector<2048x1xf32>
    %exp3A_264 = math.exp %neg3A_263 : vector<2048x1xf32>
    %log1p3A_265 = math.log1p %exp3A_264 : vector<2048x1xf32>
    %add3A_266 = arith.addf %max3A_254, %log1p3A_265 : vector<2048x1xf32>
    %select_n3A_267 = arith.select %ne3A_257, %add3A_259, %add3A_266 : vector<2048x1xi1>, vector<2048x1xf32>
    %tanh3A_268 = math.tanh %select_n3A_267 : vector<2048x1xf32>
    %mul3A_269 = arith.mulf %add3A_251, %tanh3A_268 : vector<2048x1xf32>
    %swap3A = arith.constant 0 : index
    %swap3A_270 = arith.constant 0 : index
    %swap3A_271 = vector.load %arg17[%swap3A, %swap3A_270] : memref<2048x1xf32, #tpu.memory_space<vmem>>, vector<2048x1xf32>
    tpu.vector_store %arg17[%swap3A, %swap3A_270], %mul3A_269 {strides = array<i32>} : memref<2048x1xf32, #tpu.memory_space<vmem>>, vector<2048x1xf32>,
    return
  }
  func.func @transform_0(%arg0: i32) -> (i32, i32) {
    %c0_i32 = arith.constant 0 : i32
    %c0_i32_0 = arith.constant 0 : i32
    return %arg0, %c0_i32 : i32, i32
  }
  func.func @transform_1(%arg0: i32) -> (i32, i32) {
    %c0_i32 = arith.constant 0 : i32
    %c0_i32_0 = arith.constant 0 : i32
    return %arg0, %c0_i32 : i32, i32
  }
  func.func @transform_2(%arg0: i32) -> (i32, i32) {
    %c0_i32 = arith.constant 0 : i32
    %c0_i32_0 = arith.constant 0 : i32
    return %arg0, %c0_i32 : i32, i32
  }
  func.func @transform_3(%arg0: i32) -> (i32, i32) {
    %c0_i32 = arith.constant 0 : i32
    %c0_i32_0 = arith.constant 0 : i32
    return %arg0, %c0_i32 : i32, i32
  }
  func.func @transform_4(%arg0: i32) -> (i32, i32) {
    %c0_i32 = arith.constant 0 : i32
    %c0_i32_0 = arith.constant 0 : i32
    return %arg0, %c0_i32 : i32, i32
  }
  func.func @transform_5(%arg0: i32) -> (i32, i32) {
    %c0_i32 = arith.constant 0 : i32
    %c0_i32_0 = arith.constant 0 : i32
    return %arg0, %c0_i32 : i32, i32
  }
  func.func @transform_6(%arg0: i32) -> (i32, i32) {
    %c0_i32 = arith.constant 0 : i32
    %c0_i32_0 = arith.constant 0 : i32
    %c0_i32_1 = arith.constant 0 : i32
    return %c0_i32, %c0_i32_0 : i32, i32
  }
  func.func @transform_7(%arg0: i32) -> (i32, i32) {
    %c0_i32 = arith.constant 0 : i32
    %c0_i32_0 = arith.constant 0 : i32
    %c0_i32_1 = arith.constant 0 : i32
    return %c0_i32, %c0_i32_0 : i32, i32
  }
  func.func @transform_8(%arg0: i32) -> (i32, i32) {
    %c0_i32 = arith.constant 0 : i32
    %c0_i32_0 = arith.constant 0 : i32
    %c0_i32_1 = arith.constant 0 : i32
    return %c0_i32, %c0_i32_0 : i32, i32
  }
  func.func @transform_9(%arg0: i32) -> (i32, i32) {
    %c0_i32 = arith.constant 0 : i32
    %c0_i32_0 = arith.constant 0 : i32
    %c0_i32_1 = arith.constant 0 : i32
    return %c0_i32, %c0_i32_0 : i32, i32
  }
  func.func @transform_10(%arg0: i32) -> (i32, i32) {
    %c0_i32 = arith.constant 0 : i32
    %c0_i32_0 = arith.constant 0 : i32
    %c0_i32_1 = arith.constant 0 : i32
    return %c0_i32, %c0_i32_0 : i32, i32
  }
  func.func @transform_11(%arg0: i32) -> (i32, i32) {
    %c0_i32 = arith.constant 0 : i32
    %c0_i32_0 = arith.constant 0 : i32
    %c0_i32_1 = arith.constant 0 : i32
    return %c0_i32, %c0_i32_0 : i32, i32
  }
  func.func @transform_12(%arg0: i32) -> (i32, i32) {
    %c0_i32 = arith.constant 0 : i32
    %c0_i32_0 = arith.constant 0 : i32
    %c0_i32_1 = arith.constant 0 : i32
    return %c0_i32, %c0_i32_0 : i32, i32
  }
  func.func @transform_13(%arg0: i32) -> (i32, i32) {
    %c0_i32 = arith.constant 0 : i32
    %c0_i32_0 = arith.constant 0 : i32
    %c0_i32_1 = arith.constant 0 : i32
    return %c0_i32, %c0_i32_0 : i32, i32
  }
  func.func @transform_14(%arg0: i32) -> (i32, i32) {
    %c0_i32 = arith.constant 0 : i32
    %c0_i32_0 = arith.constant 0 : i32
    %c0_i32_1 = arith.constant 0 : i32
    return %c0_i32, %c0_i32_0 : i32, i32
  }
  func.func @transform_15(%arg0: i32) -> (i32, i32) {
    %c0_i32 = arith.constant 0 : i32
    %c0_i32_0 = arith.constant 0 : i32
    %c0_i32_1 = arith.constant 0 : i32
    return %c0_i32, %c0_i32_0 : i32, i32
  }
  func.func @transform_16(%arg0: i32) -> (i32, i32) {
    %c0_i32 = arith.constant 0 : i32
    %c0_i32_0 = arith.constant 0 : i32
    return %arg0, %c0_i32 : i32, i32
  }
}

</mosaic_0001>

<sc_bundles>
// kernel: kernel.4.cloned.1.call-start
scs
__scs_entry_jumppad:
0x0: {  	(pc) =	sbr.rel $0x88, $3  }
0x1: {  	(tag) =	ssettag $0x0;
	lr =	simm.s32 $0x1  }
0x2: {  	[smem:$0x3F93] =	sst lr;
	_ =	strace $0xD0000000  }
0x3: {  	_ = 	snop  }
0x4: {  	_ = 	snop  }
0x5: {  	_ = 	snop  }
0x6: {  	_ = 	snop  }
0x7: {  	_ = 	snop  }
__scs_overlays_trampoline_lowered:
0x8: {  	[smem:$0x3FA2] =	sst s0  }
0x9: {  	[smem:$0x3FA3] =	sst s1  }
0xa: {  	[smem:$0x3FA4] =	sst s2  }
0xb: {  	[smem:$0x3FA5] =	sst s3  }
0xc: {  	[smem:$0x3FA6] =	sst s4  }
0xd: {  	[smem:$0x3FA7] =	sst s5  }
0xe: {  	[smem:$0x3FA8] =	sst s6  }
0xf: {  	[smem:$0x3FA9] =	sst s7  }
0x10: {  	[smem:$0x3FAA] =	sst s8  }
0x11: {  	[smem:$0x3FAB] =	sst s9;
	s0 =	simm.s32 @!p0 $0x0  }
0x12: {  	s1 =	sld [smem:$0x3F91];
	s0 =	simm.s32 @p0 $0x1  }
0x13: {  	[smem:$0x3FAC] =	sst s0;
	s0 =	simm.s32 @!p1 $0x0  }
0x14: {  	s2 =	sld [smem:$0x3F90];
	s0 =	simm.s32 @p1 $0x1  }
0x15: {  	[smem:$0x3FAD] =	sst s0;
	s0 =	simm.s32 @!p2 $0x0  }
0x16: {  	s3 =	sld [smem:$0x3FDB];
	s0 =	simm.s32 @p2 $0x1  }
0x17: {  	s4 =	simm.s32 $0x1BF5;
	[smem:$0x3FAF] =	sst s0  }
0x18: {  	s0 =	sld [smem:$0x3F92];
	_ =	swait.ge [sflag:s4], $0x0  }
0x19: {  	s7 =	sld [smem:$0x3F93]  }
0x1a: {  	s8 =	sadd.s32 $0xFFFFE003, lr  }
0x1b: {  	s9 =	sadd.s32 $0xFFFFFEF7, lr;
	s5 =	simm.s32 $0xFFFFFFFF;
	p2 =	slt.u32 s8, $0xFFFFF086  }
0x1c: {  	p1 =	slt.u32 s9, $0xF7A;
	s5 =	simm.s32 @!p2 $0x0  }
0x1d: {  	s5 =	simm.s32 @p1 $0x1;
	p0 =	seq.s32 s7, s2  }
0x1e: {  	s7 =	smul.u32 @!p0 $0xF7A, s2;
	p2 =	seq.s32 @!p0 s5, $0x0  }
0x1f: {  	s9 =	smul.u32 $0xF7A, s1;
	s8 =	simm.s32 @!p0 $0x1BF5;
	p2 =	por !p2, p0  }
0x20: {  	[sflag:s8] =	ssyncset.s32 @!p0 $0xFFFFF086;
	s6 =	sadd.s32 @!p0 s3, s7;
	s7 =	simm.s32 @!p0 $0x108  }
0x21: {  	s3 =	sadd.s32 s3, s9;
	s6 =	sadd.s32 @!p0 $0x88, s6;
	s7 =	simm.s32 @p2 $0x1082  }
0x22: {  	[simem:s7], [sflag:s8] =	dma.local @!p0 [hbm:s6], $0xF7A  }
0x23: {  	s9 =	sor.u32 $0xD0000000, s2;
	s6 =	simm.s32 $0x108;
	_ =	swait.ge @!p0 [sflag:s8], $0x0  }
0x24: {  	s3 =	sadd.s32 $0x88, s3;
	s6 =	simm.s32 @!p1 $0x1082;
	[sflag:s4] =	ssyncset.s32 $0xFFFFF086  }
0x25: {  	[simem:s6], [sflag:s4] =	dma.local [hbm:s3], $0xF7A  }
0x26: {  	[smem:$0x3F93] =	sst s1;
	(tag) =	ssettag s2;
	_ =	strace s9  }
0x27: {  	s1 =	sld [smem:$0x3FA3]  }
0x28: {  	s2 =	sld [smem:$0x3FA4]  }
0x29: {  	s4 =	sld [smem:$0x3FA6]  }
0x2a: {  	p0 =	seq.s32 s5, $0x0;
	s5 =	sld [smem:$0x3FA7]  }
0x2b: {  	s6 =	sld [smem:$0x3FA8]  }
0x2c: {  	s7 =	sld [smem:$0x3FA9]  }
0x2d: {  	s3 =	simm.s32 $0x108;
	s8 =	sld [smem:$0x3FAA]  }
0x2e: {  	s3 =	simm.s32 @!p0 $0x1082;
	s9 =	sld [smem:$0x3FAB]  }
0x2f: {  	lr =	sadd.s32 s0, s3;
	s0 =	sld [smem:$0x3FA2]  }
0x30: {  	s3 =	sld [smem:$0x3FA5]  }
0x31: {  	[smem:$0x3FAE] =	sst s10  }
0x32: {  	s10 =	sld [smem:$0x3FAC];
	_ =	sdelay $0x3  }
0x33: {  	p0 =	seq.s32 s10, $0x1;
	s10 =	sld [smem:$0x3FAE];
	_ =	sdelay $0x3  }
0x34: {  	[smem:$0x3FAE] =	sst s10  }
0x35: {  	s10 =	sld [smem:$0x3FAD];
	_ =	sdelay $0x3  }
0x36: {  	p1 =	seq.s32 s10, $0x1;
	s10 =	sld [smem:$0x3FAE];
	_ =	sdelay $0x3  }
0x37: {  	[smem:$0x3FAE] =	sst s10  }
0x38: {  	s10 =	sld [smem:$0x3FAF]  }
0x39: {  	_ = 	snop;
	(pc) =	sbr.ind lr, $3  }
0x3a: {  	_ = 	snop  }
0x3b: {  	_ = 	snop  }
0x3c: {  	p2 =	seq.s32 s10, $0x1;
	s10 =	sld [smem:$0x3FAE]  }
0x3d: {  	_ =	shalt  }
0x3e: {  	_ =	shalt  }
0x3f: {  	_ =	shalt  }
0x40: {  	_ =	shalt  }
0x41: {  	_ =	shalt  }
0x42: {  	_ =	shalt  }
0x43: {  	_ =	shalt  }
0x44: {  	_ =	shalt  }
0x45: {  	_ =	shalt  }
0x46: {  	_ =	shalt  }
0x47: {  	_ =	shalt  }
0x48: {  	_ =	shalt  }
0x49: {  	_ =	shalt  }
0x4a: {  	_ =	shalt  }
0x4b: {  	_ =	shalt  }
0x4c: {  	_ =	shalt  }
0x4d: {  	_ =	shalt  }
0x4e: {  	_ =	shalt  }
0x4f: {  	_ =	shalt  }
0x50: {  	_ =	shalt  }
0x51: {  	_ =	shalt  }
0x52: {  	_ =	shalt  }
0x53: {  	_ =	shalt  }
0x54: {  	_ =	shalt  }
0x55: {  	_ =	shalt  }
0x56: {  	_ =	shalt  }
0x57: {  	_ =	shalt  }
0x58: {  	_ =	shalt  }
0x59: {  	_ =	shalt  }
0x5a: {  	_ =	shalt  }
0x5b: {  	_ =	shalt  }
0x5c: {  	_ =	shalt  }
0x5d: {  	_ =	shalt  }
0x5e: {  	_ =	shalt  }
0x5f: {  	_ =	shalt  }
0x60: {  	_ =	shalt  }
0x61: {  	_ =	shalt  }
0x62: {  	_ =	shalt  }
0x63: {  	_ =	shalt  }
0x64: {  	_ =	shalt  }
0x65: {  	_ =	shalt  }
0x66: {  	_ =	shalt  }
0x67: {  	_ =	shalt  }
0x68: {  	_ =	shalt  }
0x69: {  	_ =	shalt  }
0x6a: {  	_ =	shalt  }
0x6b: {  	_ =	shalt  }
0x6c: {  	_ =	shalt  }
0x6d: {  	_ =	shalt  }
0x6e: {  	_ =	shalt  }
0x6f: {  	_ =	shalt  }
0x70: {  	_ =	shalt  }
0x71: {  	_ =	shalt  }
0x72: {  	_ =	shalt  }
0x73: {  	_ =	shalt  }
0x74: {  	_ =	shalt  }
0x75: {  	_ =	shalt  }
0x76: {  	_ =	shalt  }
0x77: {  	_ =	shalt  }
0x78: {  	_ =	shalt  }
0x79: {  	_ =	shalt  }
0x7a: {  	_ =	shalt  }
0x7b: {  	_ =	shalt  }
0x7c: {  	_ =	shalt  }
0x7d: {  	_ =	shalt  }
0x7e: {  	_ =	shalt  }
0x7f: {  	_ =	shalt  }
0x80: {  	_ =	shalt  }
0x81: {  	_ =	shalt  }
0x82: {  	_ =	shalt  }
0x83: {  	_ =	shalt  }
0x84: {  	_ =	shalt  }
0x85: {  	_ =	shalt  }
0x86: {  	_ =	shalt  }
0x87: {  	_ =	shalt  }
.Lfunc_end0:
.L_simem_size_0:
called_computation_lowered:
.L_overlay_start_0:
0x88: {  	s2 =	sld [smem:$0x3FD9]  }
0x89: {  	s3 =	sld [smem:$0x3FFE];
	_ =	sdelay $0x1  }
0x8a: {  	s1 =	srdreg.scid  }
0x8b: {  	s0 =	sand.u32 $0x1, s1  }
0x8c: {  	s16 =	sshll.u32 s0, $0xA;
	s2 =	sadd.s32 s3, s2  }
0x8d: {  	s2 =	sadd.s32 s2, s16  }
0x8e: {  	[smem:$0x3FBA] =	sst s2  }
0x8f: {  	_ = 	snop  }
0x90: {  	(tm) =	ssettm $0x1  }
0x91: {  	s17 =	sld [smem:$0x3FFB];
	_ =	sdelay $0x3  }
0x92: {  	_ =	strace s17  }
0x93: {  	s2 =	sld [smem:$0x3FFC];
	_ =	sdelay $0x3  }
0x94: {  	_ =	strace s2  }
0x95: {  	s2 =	sld [smem:$0x3FFD];
	_ =	sdelay $0x3  }
0x96: {  	_ =	strace s2  }
0x97: {  	_ =	strace $0x8FFFFFFF  }
0x98: {  	s18 =	sld [smem:$0x3FDB];
	_ =	sdelay $0x1  }
0x99: {  	s19 =	simm.s32 $_scs_section_size  }
0x9a: {  	s4 =	simm.s32 $_size__tile_overlayer_lowered;
	s5 =	simm.s32 $_tile_overlayer_lowered  }
0x9b: {  	s22 =	simm.s32 $0x1BFF;
	s21 =	sshll.u32 s5, $0x1;
	s2 =	sadd.s32 s19, s18  }
0x9c: {  	s6 =	simm.s32 $0x0;
	s20 =	sshll.u32 s4, $0x1;
	s4 =	sadd.s32 s21, s2  }
0x9d: {  	[timem:s6], [sflag:s22] =	dma.local [hbm:s4], s20  }
0x9e: {  	_ =	swait.ge [sflag:s22], s20  }
0x9f: {  	s3 =	ssub.s32 $0x0, s20;
	[sflag:s22] =	ssyncset.done $0x0  }
0xa0: {  	[sflag:s22] =	ssyncadd.s32 s3;
	_ =	sdelay $0x1  }
0xa1: {  	s23 =	simm.s32 $0x1B8B  }
0xa2: {  	_ =	swait.ge [sflag:s23], $0x1  }
0xa3: {  	[sflag:s23] =	ssyncset.done $0x0  }
0xa4: {  	s25 =	simm.s32 $0x1B8E;
	s24 =	sld [smem:$0x3FFE];
	[sflag:s23] =	ssyncadd.s32 $0xFFFFFFFF  }
0xa5: {  	s26 =	simm.s32 $execute0_lowered;
	[smem:$0x3FD2] =	sst s25  }
0xa6: {  	s4 =	sshll.u32 s26, $0x1;
	_ =	strace $0x80000046;
	[dreg:$0x1] =	wrdreg $0xFFFFFFFF  }
0xa7: {  	s28 =	simm.s32 $_size_execute0_lowered;
	s2 =	sadd.s32 s2, s4;
	[dreg:$0x0] =	wrdreg $0x0  }
0xa8: {  	s4 =	sshll.u32 s28, $0x1;
	[dreg:$0x2] =	wrdreg s2  }
0xa9: {  	[dreg:$0x3] =	wrdreg s4  }
0xaa: {  	[dreg:$0x4] =	wrdreg $0xC0  }
0xab: {  	_ =	task [dreg:s6], $0x5FFFF  }
0xac: {  	[dreg:$0x1] =	wrdreg $0xFFFFFFFF  }
0xad: {  	[dreg:$0x0] =	wrdreg $0x60  }
0xae: {  	[dreg:$0x2] =	wrdreg s24  }
0xaf: {  	[dreg:$0x3] =	wrdreg $0x9  }
0xb0: {  	_ =	task.clear_ibuf [dreg:s6], $0x4FFFF;
	_ =	strace $0x90000046  }
0xb1: {  	s29 =	simm.s32 $0x9;
	_ =	strace $0x80000048  }
0xb2: {  	_ =	swait.ge [sflag:s29], $0x1  }
0xb3: {  	[sflag:s29] =	ssyncadd.s32 $0xFFFFFFFF  }
0xb4: {  	_ =	strace $0x90000048  }
0xb5: {  	_ =	sfence  }
0xb6: {  	s30 =	sld [smem:$0x0];
	_ =	sdelay $0x2  }
0xb7: {  	s31 =	sshll.u32 s1, $0xD;
	s1 =	sshrl.u32 s1, $0x2  }
0xb8: {  	s3 =	sand.u32 $0x4000, s31;
	s1 =	sadd.s32 s1, s30  }
0xb9: {  	s0 =	sor.u32 s3, s0;
	s1 =	sshll.u32 s1, $0x11  }
0xba: {  	s0 =	sor.u32 s1, s0  }
0xbb: {  	s0 =	sadd.s32 $0x8F2B, s0  }
0xbc: {  	[sflag:s0] =	ssyncadd.remote.s32 $0x1  }
0xbd: {  	_ =	sfence.sel $0xFFFF  }
0xbe: {  	[dreg:$0x0] =	wrdreg $0xFFFFFFFF;
	(pc) =	sbr.abs _section_cstart, $3  }
0xbf: {  	[dreg:$0x1] =	wrdreg $0xFFFFFFFF  }
0xc0: {  	_ =	task.clear_ibuf [dreg:s6], $0x2FFFF;
	_ =	strace $0x9FFFFFFF  }
0xc1: {  	(tm) =	ssettm $0x7FFFFFFF  }
tec
execute0_lowered:
.L_overlay_start_1:
0x0: {  	(tag) =	ssettag $0x1  }
0x1: {  	s0 =	rddreg [dreg:$0x0];
	s1 =	srdreg.scid;
	s2 =	simm.s32 $0x0  }
0x2: {  	s11 =	stileid.u32;
	s31 =	simm.s32 $0x200;
	p0 =	por $0x0, $0x0  }
0x3: {  	s30 =	simm.s32 $0x280;
	s28 =	simm.s32 $0x100;
	s29 =	simm.s32 $0x300  }
0x4: {  	s1 =	sand.u32 $0x1, s1;
	[smem:$0x7FF] =	sst s2;
	s3 =	sshll.u32 s11, $0x7  }
0x5: {  	s5 =	sadd.s32 $0x1315000, s0;
	s6 =	sadd.s32 $0x1AB6400, s0;
	s8 =	sadd.s32 $0x3A00, s0  }
0x6: {  	s9 =	sadd.s32 $0x43A00, s0;
	s11 =	sshll.u32 s11, $0xE;
	s23 =	sadd.s32 $0x83A00, s0  }
0x7: {  	s4 =	sshll.u32 s1, $0x6;
	_ =	strace $0x80000047;
	s12 =	sshll.u32 s1, $0xD  }
0x8: {  	s1 =	ssub.s32 $0x2, s1;
	s4 =	sor.u32 s4, s3;
	s3 =	sadd.s32 $0xF44600, s0  }
0x9: {  	s22 =	sor.u32 s12, s11;
	s11 =	simm.s32 $0xC400;
	s7 =	sadd.s32 s4, s0  }
0xa: {  	s4 =	sadd.s32 $0x16E5A00, s0;
	s13 =	sadd.s32 s8, s22;
	s0 =	sadd.s32 $0xC3A00, s0  }
0xb: {  	s14 =	sadd.s32 s9, s22;
	s15 =	sadd.s32 s23, s22;
	[dreg:$0x4] =	wrdreg s13  }
0xc: {  	s12 =	sor.u32 $0x800, s22;
	s18 =	sor.u32 $0x1000, s22;
	[dreg:$0x5] =	wrdreg s14  }
0xd: {  	s10 =	sadd.s32 $0x3200, s7;
	s7 =	sadd.s32 $0x2A00, s7;
	[dreg:$0x6] =	wrdreg s15  }
0xe: {  	s16 =	sadd.s32 s0, s22;
	s13 =	sshrl.u32 s1, $0x1;
	s17 =	sadd.s32 s8, s12  }
0xf: {  	s26 =	sadd.s32 s9, s12;
	s25 =	sadd.s32 s23, s12;
	s24 =	sadd.s32 s0, s12  }
0x10: {  	s21 =	sadd.s32 s8, s18;
	s20 =	sadd.s32 s9, s18;
	s22 =	sor.u32 $0x1800, s22  }
0x11: {  	s19 =	sadd.s32 s23, s18;
	[dreg:$0x2] =	wrdreg s10;
	s1 =	ssub.s32 s1, s13  }
0x12: {  	s10 =	sadd.s32 s9, s22;
	s9 =	sadd.s32 s23, s22;
	s23 =	smax.u32 s1, $0x1  }
0x13: {  	s15 =	simm.s32 $0x400;
	[dreg:$0x3] =	wrdreg s7;
	p1 =	sne.s32 s23, $0x1  }
.Ltmp0:
0x14: {  	s14 =	simm.s32 $0x4400;
	[dreg:$0x7] =	wrdreg s16;
	(pc) =	sbr.rel @!p1 .LBB2_3-.Ltmp0, $4  }
0x15: {  	[dreg:$0x8] =	wrdreg s17;
	s17 =	sadd.s32 s0, s18;
	s12 =	sadd.s32 s8, s22  }
0x16: {  	s8 =	sadd.s32 s0, s22;
	s7 =	simm.s32 $0x2;
	s18 =	simm.s32 $0x80  }
0x17: {  	s13 =	simm.s32 $0x8400;
	s16 =	simm.s32 $0x1;
	s22 =	simm.s32 $0x180  }
0x18: {  	s1 =	rddreg [dreg:$0x2];
	s0 =	sadd.s32 $0xFFFFFFFF, s23;
	s23 =	simm.s32 $0x380  }
0x19: {  	[tilespmem:s2], [sflag:$0x2] =	stream.linear.gather [hbm4b:s1+s2], $0x200, $0x38;
	[tilespmem:$0x10400] =	vst v63  }
0x1a: {  	_ =	swait.ge [sflag:s7], $0x200  }
0x1b: {  	[sflag:s7] =	ssyncset.done $0x0  }
0x1c: {  	s1 =	rddreg [dreg:$0x3];
	[sflag:s7] =	ssyncadd.s32 $0xFFFFFE00  }
0x1d: {  	[tilespmem:s31], [sflag:$0x2] =	stream.linear.gather [hbm4b:s1+s2], $0x200, $0x38;
	[tilespmem:$0x10400] =	vst v63  }
0x1e: {  	_ =	swait.ge [sflag:s7], $0x200  }
0x1f: {  	[sflag:s7] =	ssyncset.done $0x0  }
0x20: {  	[sflag:s7] =	ssyncadd.s32 $0xFFFFFE00  }
0x21: {  	[tilespmem:s15], [sflag:$0x1] =	stream.indirect.gather [hbm4b:s3+s18], $0x80, s2, s18, $0xb8;
	[tilespmem:$0x10400] =	vst v63  }
0x22: {  	_ = 	snop  }
0x23: {  	[tilespmem:s14], [sflag:$0x1] =	stream.indirect.gather [hbm4b:s4+s18], $0x80, s31, s18, $0xb8;
	[tilespmem:$0x10400] =	vst v63  }
0x24: {  	_ = 	snop  }
0x25: {  	[tilespmem:s13], [sflag:$0x1] =	stream.indirect.gather [hbm4b:s5+s18], $0x80, s2, s18, $0xb8;
	[tilespmem:$0x10400] =	vst v63  }
0x26: {  	_ = 	snop  }
0x27: {  	[tilespmem:s11], [sflag:$0x1] =	stream.indirect.gather [hbm4b:s6+s18], $0x80, s31, s18, $0xb8;
	[tilespmem:$0x10400] =	vst v63  }
0x28: {  	_ =	swait.ge [sflag:s16], $0x4000  }
0x29: {  	[sflag:s16] =	ssyncset.done $0x0  }
0x2a: {  	[sflag:s16] =	ssyncadd.s32 $0xFFFFC000  }
0x2b: {  	_ =	swait.ge [sflag:s16], $0x4000  }
0x2c: {  	[sflag:s16] =	ssyncset.done $0x0  }
0x2d: {  	[sflag:s16] =	ssyncadd.s32 $0xFFFFC000  }
0x2e: {  	_ =	swait.ge [sflag:s16], $0x4000  }
0x2f: {  	[sflag:s16] =	ssyncset.done $0x0  }
0x30: {  	[sflag:s16] =	ssyncadd.s32 $0xFFFFC000  }
0x31: {  	_ =	swait.ge [sflag:s16], $0x4000  }
0x32: {  	[sflag:s16] =	ssyncset.done $0x0  }
0x33: {  	s1 =	rddreg [dreg:$0x4];
	[sflag:s16] =	ssyncadd.s32 $0xFFFFC000  }
0x34: {  	[hbm4b:s1+s2] =	stream.linear.scatter [tilespmem:s15], [sflag:$0x2], $0x4000, $0x38;
	[tilespmem:$0x10400] =	vst v63  }
0x35: {  	_ =	swait.ge [sflag:s7], $0x4000  }
0x36: {  	[sflag:s7] =	ssyncset.done $0x0  }
0x37: {  	s1 =	rddreg [dreg:$0x5];
	[sflag:s7] =	ssyncadd.s32 $0xFFFFC000  }
0x38: {  	[hbm4b:s1+s2] =	stream.linear.scatter [tilespmem:s14], [sflag:$0x2], $0x4000, $0x38;
	[tilespmem:$0x10400] =	vst v63  }
0x39: {  	_ =	swait.ge [sflag:s7], $0x4000  }
0x3a: {  	[sflag:s7] =	ssyncset.done $0x0  }
0x3b: {  	s1 =	rddreg [dreg:$0x6];
	[sflag:s7] =	ssyncadd.s32 $0xFFFFC000  }
0x3c: {  	[hbm4b:s1+s2] =	stream.linear.scatter [tilespmem:s13], [sflag:$0x2], $0x4000, $0x38;
	[tilespmem:$0x10400] =	vst v63  }
0x3d: {  	_ =	swait.ge [sflag:s7], $0x4000  }
0x3e: {  	[sflag:s7] =	ssyncset.done $0x0  }
0x3f: {  	s1 =	rddreg [dreg:$0x7];
	[sflag:s7] =	ssyncadd.s32 $0xFFFFC000  }
0x40: {  	[hbm4b:s1+s2] =	stream.linear.scatter [tilespmem:s11], [sflag:$0x2], $0x4000, $0x38;
	[tilespmem:$0x10400] =	vst v63  }
0x41: {  	_ =	swait.ge [sflag:s7], $0x4000  }
0x42: {  	[sflag:s7] =	ssyncset.done $0x0  }
0x43: {  	[sflag:s7] =	ssyncadd.s32 $0xFFFFC000  }
0x44: {  	[tilespmem:s15], [sflag:$0x1] =	stream.indirect.gather [hbm4b:s3+s18], $0x80, s18, s18, $0xb8;
	[tilespmem:$0x10400] =	vst v63  }
0x45: {  	_ = 	snop  }
0x46: {  	[tilespmem:s14], [sflag:$0x1] =	stream.indirect.gather [hbm4b:s4+s18], $0x80, s30, s18, $0xb8;
	[tilespmem:$0x10400] =	vst v63  }
0x47: {  	_ = 	snop  }
0x48: {  	[tilespmem:s13], [sflag:$0x1] =	stream.indirect.gather [hbm4b:s5+s18], $0x80, s18, s18, $0xb8;
	[tilespmem:$0x10400] =	vst v63  }
0x49: {  	_ = 	snop  }
0x4a: {  	[tilespmem:s11], [sflag:$0x1] =	stream.indirect.gather [hbm4b:s6+s18], $0x80, s30, s18, $0xb8;
	[tilespmem:$0x10400] =	vst v63  }
0x4b: {  	_ =	swait.ge [sflag:s16], $0x4000  }
0x4c: {  	[sflag:s16] =	ssyncset.done $0x0  }
0x4d: {  	[sflag:s16] =	ssyncadd.s32 $0xFFFFC000  }
0x4e: {  	_ =	swait.ge [sflag:s16], $0x4000  }
0x4f: {  	[sflag:s16] =	ssyncset.done $0x0  }
0x50: {  	[sflag:s16] =	ssyncadd.s32 $0xFFFFC000  }
0x51: {  	_ =	swait.ge [sflag:s16], $0x4000  }
0x52: {  	[sflag:s16] =	ssyncset.done $0x0  }
0x53: {  	[sflag:s16] =	ssyncadd.s32 $0xFFFFC000  }
0x54: {  	_ =	swait.ge [sflag:s16], $0x4000  }
0x55: {  	[sflag:s16] =	ssyncset.done $0x0  }
0x56: {  	s1 =	rddreg [dreg:$0x8];
	[sflag:s16] =	ssyncadd.s32 $0xFFFFC000  }
0x57: {  	[hbm4b:s1+s2] =	stream.linear.scatter [tilespmem:s15], [sflag:$0x2], $0x4000, $0x38;
	[tilespmem:$0x10400] =	vst v63  }
0x58: {  	_ =	swait.ge [sflag:s7], $0x4000  }
0x59: {  	[sflag:s7] =	ssyncset.done $0x0  }
0x5a: {  	[sflag:s7] =	ssyncadd.s32 $0xFFFFC000  }
0x5b: {  	[hbm4b:s26+s2] =	stream.linear.scatter [tilespmem:s14], [sflag:$0x2], $0x4000, $0x38;
	[tilespmem:$0x10400] =	vst v63  }
0x5c: {  	_ =	swait.ge [sflag:s7], $0x4000  }
0x5d: {  	[sflag:s7] =	ssyncset.done $0x0  }
0x5e: {  	[sflag:s7] =	ssyncadd.s32 $0xFFFFC000  }
0x5f: {  	[hbm4b:s25+s2] =	stream.linear.scatter [tilespmem:s13], [sflag:$0x2], $0x4000, $0x38;
	[tilespmem:$0x10400] =	vst v63  }
0x60: {  	_ =	swait.ge [sflag:s7], $0x4000  }
0x61: {  	[sflag:s7] =	ssyncset.done $0x0  }
0x62: {  	[sflag:s7] =	ssyncadd.s32 $0xFFFFC000  }
0x63: {  	[hbm4b:s24+s2] =	stream.linear.scatter [tilespmem:s11], [sflag:$0x2], $0x4000, $0x38;
	[tilespmem:$0x10400] =	vst v63  }
0x64: {  	_ =	swait.ge [sflag:s7], $0x4000  }
0x65: {  	[sflag:s7] =	ssyncset.done $0x0  }
0x66: {  	[sflag:s7] =	ssyncadd.s32 $0xFFFFC000  }
0x67: {  	[tilespmem:s15], [sflag:$0x1] =	stream.indirect.gather [hbm4b:s3+s18], $0x80, s28, s18, $0xb8;
	[tilespmem:$0x10400] =	vst v63  }
0x68: {  	_ = 	snop  }
0x69: {  	[tilespmem:s14], [sflag:$0x1] =	stream.indirect.gather [hbm4b:s4+s18], $0x80, s29, s18, $0xb8;
	[tilespmem:$0x10400] =	vst v63  }
0x6a: {  	_ = 	snop  }
0x6b: {  	[tilespmem:s13], [sflag:$0x1] =	stream.indirect.gather [hbm4b:s5+s18], $0x80, s28, s18, $0xb8;
	[tilespmem:$0x10400] =	vst v63  }
0x6c: {  	_ = 	snop  }
0x6d: {  	[tilespmem:s11], [sflag:$0x1] =	stream.indirect.gather [hbm4b:s6+s18], $0x80, s29, s18, $0xb8;
	[tilespmem:$0x10400] =	vst v63  }
0x6e: {  	_ =	swait.ge [sflag:s16], $0x4000  }
0x6f: {  	[sflag:s16] =	ssyncset.done $0x0  }
0x70: {  	[sflag:s16] =	ssyncadd.s32 $0xFFFFC000  }
0x71: {  	_ =	swait.ge [sflag:s16], $0x4000  }
0x72: {  	[sflag:s16] =	ssyncset.done $0x0  }
0x73: {  	[sflag:s16] =	ssyncadd.s32 $0xFFFFC000  }
0x74: {  	_ =	swait.ge [sflag:s16], $0x4000  }
0x75: {  	[sflag:s16] =	ssyncset.done $0x0  }
0x76: {  	[sflag:s16] =	ssyncadd.s32 $0xFFFFC000  }
0x77: {  	_ =	swait.ge [sflag:s16], $0x4000  }
0x78: {  	[sflag:s16] =	ssyncset.done $0x0  }
0x79: {  	[sflag:s16] =	ssyncadd.s32 $0xFFFFC000  }
0x7a: {  	[hbm4b:s21+s2] =	stream.linear.scatter [tilespmem:s15], [sflag:$0x2], $0x4000, $0x38;
	[tilespmem:$0x10400] =	vst v63  }
0x7b: {  	_ =	swait.ge [sflag:s7], $0x4000  }
0x7c: {  	[sflag:s7] =	ssyncset.done $0x0  }
0x7d: {  	[sflag:s7] =	ssyncadd.s32 $0xFFFFC000  }
0x7e: {  	[hbm4b:s20+s2] =	stream.linear.scatter [tilespmem:s14], [sflag:$0x2], $0x4000, $0x38;
	[tilespmem:$0x10400] =	vst v63  }
0x7f: {  	_ =	swait.ge [sflag:s7], $0x4000  }
0x80: {  	[sflag:s7] =	ssyncset.done $0x0  }
0x81: {  	[sflag:s7] =	ssyncadd.s32 $0xFFFFC000  }
0x82: {  	[hbm4b:s19+s2] =	stream.linear.scatter [tilespmem:s13], [sflag:$0x2], $0x4000, $0x38;
	[tilespmem:$0x10400] =	vst v63  }
0x83: {  	_ =	swait.ge [sflag:s7], $0x4000  }
0x84: {  	[sflag:s7] =	ssyncset.done $0x0  }
0x85: {  	[sflag:s7] =	ssyncadd.s32 $0xFFFFC000  }
0x86: {  	[hbm4b:s17+s2] =	stream.linear.scatter [tilespmem:s11], [sflag:$0x2], $0x4000, $0x38;
	[tilespmem:$0x10400] =	vst v63  }
0x87: {  	_ =	swait.ge [sflag:s7], $0x4000  }
0x88: {  	[sflag:s7] =	ssyncset.done $0x0  }
0x89: {  	[sflag:s7] =	ssyncadd.s32 $0xFFFFC000  }
0x8a: {  	[tilespmem:s15], [sflag:$0x1] =	stream.indirect.gather [hbm4b:s3+s18], $0x80, s22, s18, $0xb8;
	[tilespmem:$0x10400] =	vst v63  }
0x8b: {  	_ = 	snop  }
0x8c: {  	[tilespmem:s14], [sflag:$0x1] =	stream.indirect.gather [hbm4b:s4+s18], $0x80, s23, s18, $0xb8;
	[tilespmem:$0x10400] =	vst v63  }
0x8d: {  	_ = 	snop  }
0x8e: {  	[tilespmem:s13], [sflag:$0x1] =	stream.indirect.gather [hbm4b:s5+s18], $0x80, s22, s18, $0xb8;
	[tilespmem:$0x10400] =	vst v63  }
0x8f: {  	_ = 	snop  }
0x90: {  	[tilespmem:s11], [sflag:$0x1] =	stream.indirect.gather [hbm4b:s6+s18], $0x80, s23, s18, $0xb8;
	[tilespmem:$0x10400] =	vst v63  }
0x91: {  	_ =	swait.ge [sflag:s16], $0x4000  }
0x92: {  	[sflag:s16] =	ssyncset.done $0x0  }
0x93: {  	[sflag:s16] =	ssyncadd.s32 $0xFFFFC000  }
0x94: {  	_ =	swait.ge [sflag:s16], $0x4000  }
0x95: {  	[sflag:s16] =	ssyncset.done $0x0  }
0x96: {  	[sflag:s16] =	ssyncadd.s32 $0xFFFFC000  }
0x97: {  	_ =	swait.ge [sflag:s16], $0x4000  }
0x98: {  	[sflag:s16] =	ssyncset.done $0x0  }
0x99: {  	[sflag:s16] =	ssyncadd.s32 $0xFFFFC000  }
0x9a: {  	_ =	swait.ge [sflag:s16], $0x4000  }
0x9b: {  	[sflag:s16] =	ssyncset.done $0x0  }
0x9c: {  	[sflag:s16] =	ssyncadd.s32 $0xFFFFC000  }
0x9d: {  	[hbm4b:s12+s2] =	stream.linear.scatter [tilespmem:s15], [sflag:$0x2], $0x4000, $0x38;
	[tilespmem:$0x10400] =	vst v63  }
0x9e: {  	_ =	swait.ge [sflag:s7], $0x4000  }
0x9f: {  	[sflag:s7] =	ssyncset.done $0x0  }
0xa0: {  	[sflag:s7] =	ssyncadd.s32 $0xFFFFC000  }
0xa1: {  	[hbm4b:s10+s2] =	stream.linear.scatter [tilespmem:s14], [sflag:$0x2], $0x4000, $0x38;
	[tilespmem:$0x10400] =	vst v63  }
0xa2: {  	_ =	swait.ge [sflag:s7], $0x4000  }
0xa3: {  	[sflag:s7] =	ssyncset.done $0x0  }
0xa4: {  	[sflag:s7] =	ssyncadd.s32 $0xFFFFC000  }
0xa5: {  	[hbm4b:s9+s2] =	stream.linear.scatter [tilespmem:s13], [sflag:$0x2], $0x4000, $0x38;
	[tilespmem:$0x10400] =	vst v63  }
0xa6: {  	p1 =	sne.s32 s0, $0x1;
	_ =	swait.ge [sflag:s7], $0x4000  }
.Ltmp1:
0xa7: {  	[sflag:s7] =	ssyncset.done $0x0;
	(pc) =	sbr.rel @!p1 .LBB2_3-.Ltmp1, $4  }
0xa8: {  	[sflag:s7] =	ssyncadd.s32 $0xFFFFC000  }
0xa9: {  	[hbm4b:s8+s2] =	stream.linear.scatter [tilespmem:s11], [sflag:$0x2], $0x4000, $0x38;
	[tilespmem:$0x10400] =	vst v63  }
0xaa: {  	s0 =	sadd.s32 $0xFFFFFFFF, s0;
	_ =	swait.ge [sflag:s7], $0x4000  }
0xab: {  	p0 =	por $0x1, $0x1;
	s1 =	rddreg [dreg:$0x2];
	[sflag:s7] =	ssyncset.done $0x0  }
.LBB2_2:
0xac: {  	[sflag:s7] =	ssyncadd.s32 $0xFFFFC000  }
0xad: {  	[tilespmem:s2], [sflag:$0x2] =	stream.linear.gather [hbm4b:s1+s2], $0x200, $0x38;
	[tilespmem:$0x10400] =	vst v63  }
0xae: {  	_ =	swait.ge [sflag:s7], $0x200  }
0xaf: {  	[sflag:s7] =	ssyncset.done $0x0  }
0xb0: {  	s1 =	rddreg [dreg:$0x3];
	[sflag:s7] =	ssyncadd.s32 $0xFFFFFE00  }
0xb1: {  	[tilespmem:s31], [sflag:$0x2] =	stream.linear.gather [hbm4b:s1+s2], $0x200, $0x38;
	[tilespmem:$0x10400] =	vst v63  }
0xb2: {  	_ =	swait.ge [sflag:s7], $0x200  }
0xb3: {  	[sflag:s7] =	ssyncset.done $0x0  }
0xb4: {  	[sflag:s7] =	ssyncadd.s32 $0xFFFFFE00  }
0xb5: {  	[tilespmem:s15], [sflag:$0x1] =	stream.indirect.gather [hbm4b:s3+s18], $0x80, s2, s18, $0xb8;
	[tilespmem:$0x10400] =	vst v63  }
0xb6: {  	_ = 	snop  }
0xb7: {  	[tilespmem:s14], [sflag:$0x1] =	stream.indirect.gather [hbm4b:s4+s18], $0x80, s31, s18, $0xb8;
	[tilespmem:$0x10400] =	vst v63  }
0xb8: {  	_ = 	snop  }
0xb9: {  	[tilespmem:s13], [sflag:$0x1] =	stream.indirect.gather [hbm4b:s5+s18], $0x80, s2, s18, $0xb8;
	[tilespmem:$0x10400] =	vst v63  }
0xba: {  	_ = 	snop  }
0xbb: {  	[tilespmem:s11], [sflag:$0x1] =	stream.indirect.gather [hbm4b:s6+s18], $0x80, s31, s18, $0xb8;
	[tilespmem:$0x10400] =	vst v63  }
0xbc: {  	_ =	swait.ge [sflag:s16], $0x4000  }
0xbd: {  	[sflag:s16] =	ssyncset.done $0x0  }
0xbe: {  	[sflag:s16] =	ssyncadd.s32 $0xFFFFC000  }
0xbf: {  	_ =	swait.ge [sflag:s16], $0x4000  }
0xc0: {  	[sflag:s16] =	ssyncset.done $0x0  }
0xc1: {  	[sflag:s16] =	ssyncadd.s32 $0xFFFFC000  }
0xc2: {  	_ =	swait.ge [sflag:s16], $0x4000  }
0xc3: {  	[sflag:s16] =	ssyncset.done $0x0  }
0xc4: {  	[sflag:s16] =	ssyncadd.s32 $0xFFFFC000  }
0xc5: {  	_ =	swait.ge [sflag:s16], $0x4000  }
0xc6: {  	[sflag:s16] =	ssyncset.done $0x0  }
0xc7: {  	s1 =	rddreg [dreg:$0x4];
	[sflag:s16] =	ssyncadd.s32 $0xFFFFC000  }
0xc8: {  	[hbm4b:s1+s2] =	stream.linear.scatter [tilespmem:s15], [sflag:$0x2], $0x4000, $0x38;
	[tilespmem:$0x10400] =	vst v63  }
0xc9: {  	_ =	swait.ge [sflag:s7], $0x4000  }
0xca: {  	[sflag:s7] =	ssyncset.done $0x0  }
0xcb: {  	s1 =	rddreg [dreg:$0x5];
	[sflag:s7] =	ssyncadd.s32 $0xFFFFC000  }
0xcc: {  	[hbm4b:s1+s2] =	stream.linear.scatter [tilespmem:s14], [sflag:$0x2], $0x4000, $0x38;
	[tilespmem:$0x10400] =	vst v63  }
0xcd: {  	_ =	swait.ge [sflag:s7], $0x4000  }
0xce: {  	[sflag:s7] =	ssyncset.done $0x0  }
0xcf: {  	s1 =	rddreg [dreg:$0x6];
	[sflag:s7] =	ssyncadd.s32 $0xFFFFC000  }
0xd0: {  	[hbm4b:s1+s2] =	stream.linear.scatter [tilespmem:s13], [sflag:$0x2], $0x4000, $0x38;
	[tilespmem:$0x10400] =	vst v63  }
0xd1: {  	_ =	swait.ge [sflag:s7], $0x4000  }
0xd2: {  	[sflag:s7] =	ssyncset.done $0x0  }
0xd3: {  	s1 =	rddreg [dreg:$0x7];
	[sflag:s7] =	ssyncadd.s32 $0xFFFFC000  }
0xd4: {  	[hbm4b:s1+s2] =	stream.linear.scatter [tilespmem:s11], [sflag:$0x2], $0x4000, $0x38;
	[tilespmem:$0x10400] =	vst v63  }
0xd5: {  	_ =	swait.ge [sflag:s7], $0x4000  }
0xd6: {  	[sflag:s7] =	ssyncset.done $0x0  }
0xd7: {  	[sflag:s7] =	ssyncadd.s32 $0xFFFFC000  }
0xd8: {  	[tilespmem:s15], [sflag:$0x1] =	stream.indirect.gather [hbm4b:s3+s18], $0x80, s18, s18, $0xb8;
	[tilespmem:$0x10400] =	vst v63  }
0xd9: {  	_ = 	snop  }
0xda: {  	[tilespmem:s14], [sflag:$0x1] =	stream.indirect.gather [hbm4b:s4+s18], $0x80, s30, s18, $0xb8;
	[tilespmem:$0x10400] =	vst v63  }
0xdb: {  	_ = 	snop  }
0xdc: {  	[tilespmem:s13], [sflag:$0x1] =	stream.indirect.gather [hbm4b:s5+s18], $0x80, s18, s18, $0xb8;
	[tilespmem:$0x10400] =	vst v63  }
0xdd: {  	_ = 	snop  }
0xde: {  	[tilespmem:s11], [sflag:$0x1] =	stream.indirect.gather [hbm4b:s6+s18], $0x80, s30, s18, $0xb8;
	[tilespmem:$0x10400] =	vst v63  }
0xdf: {  	_ =	swait.ge [sflag:s16], $0x4000  }
0xe0: {  	[sflag:s16] =	ssyncset.done $0x0  }
0xe1: {  	[sflag:s16] =	ssyncadd.s32 $0xFFFFC000  }
0xe2: {  	_ =	swait.ge [sflag:s16], $0x4000  }
0xe3: {  	[sflag:s16] =	ssyncset.done $0x0  }
0xe4: {  	[sflag:s16] =	ssyncadd.s32 $0xFFFFC000  }
0xe5: {  	_ =	swait.ge [sflag:s16], $0x4000  }
0xe6: {  	[sflag:s16] =	ssyncset.done $0x0  }
0xe7: {  	[sflag:s16] =	ssyncadd.s32 $0xFFFFC000  }
0xe8: {  	_ =	swait.ge [sflag:s16], $0x4000  }
0xe9: {  	[sflag:s16] =	ssyncset.done $0x0  }
0xea: {  	s1 =	rddreg [dreg:$0x8];
	[sflag:s16] =	ssyncadd.s32 $0xFFFFC000  }
0xeb: {  	[hbm4b:s1+s2] =	stream.linear.scatter [tilespmem:s15], [sflag:$0x2], $0x4000, $0x38;
	[tilespmem:$0x10400] =	vst v63  }
0xec: {  	_ =	swait.ge [sflag:s7], $0x4000  }
0xed: {  	[sflag:s7] =	ssyncset.done $0x0  }
0xee: {  	[sflag:s7] =	ssyncadd.s32 $0xFFFFC000  }
0xef: {  	[hbm4b:s26+s2] =	stream.linear.scatter [tilespmem:s14], [sflag:$0x2], $0x4000, $0x38;
	[tilespmem:$0x10400] =	vst v63  }
0xf0: {  	_ =	swait.ge [sflag:s7], $0x4000  }
0xf1: {  	[sflag:s7] =	ssyncset.done $0x0  }
0xf2: {  	[sflag:s7] =	ssyncadd.s32 $0xFFFFC000  }
0xf3: {  	[hbm4b:s25+s2] =	stream.linear.scatter [tilespmem:s13], [sflag:$0x2], $0x4000, $0x38;
	[tilespmem:$0x10400] =	vst v63  }
0xf4: {  	_ =	swait.ge [sflag:s7], $0x4000  }
0xf5: {  	[sflag:s7] =	ssyncset.done $0x0  }
0xf6: {  	[sflag:s7] =	ssyncadd.s32 $0xFFFFC000  }
0xf7: {  	[hbm4b:s24+s2] =	stream.linear.scatter [tilespmem:s11], [sflag:$0x2], $0x4000, $0x38;
	[tilespmem:$0x10400] =	vst v63  }
0xf8: {  	_ =	swait.ge [sflag:s7], $0x4000  }
0xf9: {  	[sflag:s7] =	ssyncset.done $0x0  }
0xfa: {  	[sflag:s7] =	ssyncadd.s32 $0xFFFFC000  }
0xfb: {  	[tilespmem:s15], [sflag:$0x1] =	stream.indirect.gather [hbm4b:s3+s18], $0x80, s28, s18, $0xb8;
	[tilespmem:$0x10400] =	vst v63  }
0xfc: {  	_ = 	snop  }
0xfd: {  	[tilespmem:s14], [sflag:$0x1] =	stream.indirect.gather [hbm4b:s4+s18], $0x80, s29, s18, $0xb8;
	[tilespmem:$0x10400] =	vst v63  }
0xfe: {  	_ = 	snop  }
0xff: {  	[tilespmem:s13], [sflag:$0x1] =	stream.indirect.gather [hbm4b:s5+s18], $0x80, s28, s18, $0xb8;
	[tilespmem:$0x10400] =	vst v63  }
0x100: {  	_ = 	snop  }
0x101: {  	[tilespmem:s11], [sflag:$0x1] =	stream.indirect.gather [hbm4b:s6+s18], $0x80, s29, s18, $0xb8;
	[tilespmem:$0x10400] =	vst v63  }
0x102: {  	_ =	swait.ge [sflag:s16], $0x4000  }
0x103: {  	[sflag:s16] =	ssyncset.done $0x0  }
0x104: {  	[sflag:s16] =	ssyncadd.s32 $0xFFFFC000  }
0x105: {  	_ =	swait.ge [sflag:s16], $0x4000  }
0x106: {  	[sflag:s16] =	ssyncset.done $0x0  }
0x107: {  	[sflag:s16] =	ssyncadd.s32 $0xFFFFC000  }
0x108: {  	_ =	swait.ge [sflag:s16], $0x4000  }
0x109: {  	[sflag:s16] =	ssyncset.done $0x0  }
0x10a: {  	[sflag:s16] =	ssyncadd.s32 $0xFFFFC000  }
0x10b: {  	_ =	swait.ge [sflag:s16], $0x4000  }
0x10c: {  	[sflag:s16] =	ssyncset.done $0x0  }
0x10d: {  	[sflag:s16] =	ssyncadd.s32 $0xFFFFC000  }
0x10e: {  	[hbm4b:s21+s2] =	stream.linear.scatter [tilespmem:s15], [sflag:$0x2], $0x4000, $0x38;
	[tilespmem:$0x10400] =	vst v63  }
0x10f: {  	_ =	swait.ge [sflag:s7], $0x4000  }
0x110: {  	[sflag:s7] =	ssyncset.done $0x0  }
0x111: {  	[sflag:s7] =	ssyncadd.s32 $0xFFFFC000  }
0x112: {  	[hbm4b:s20+s2] =	stream.linear.scatter [tilespmem:s14], [sflag:$0x2], $0x4000, $0x38;
	[tilespmem:$0x10400] =	vst v63  }
0x113: {  	_ =	swait.ge [sflag:s7], $0x4000  }
0x114: {  	[sflag:s7] =	ssyncset.done $0x0  }
0x115: {  	[sflag:s7] =	ssyncadd.s32 $0xFFFFC000  }
0x116: {  	[hbm4b:s19+s2] =	stream.linear.scatter [tilespmem:s13], [sflag:$0x2], $0x4000, $0x38;
	[tilespmem:$0x10400] =	vst v63  }
0x117: {  	_ =	swait.ge [sflag:s7], $0x4000  }
0x118: {  	[sflag:s7] =	ssyncset.done $0x0  }
0x119: {  	[sflag:s7] =	ssyncadd.s32 $0xFFFFC000  }
0x11a: {  	[hbm4b:s17+s2] =	stream.linear.scatter [tilespmem:s11], [sflag:$0x2], $0x4000, $0x38;
	[tilespmem:$0x10400] =	vst v63  }
0x11b: {  	_ =	swait.ge [sflag:s7], $0x4000  }
0x11c: {  	[sflag:s7] =	ssyncset.done $0x0  }
0x11d: {  	[sflag:s7] =	ssyncadd.s32 $0xFFFFC000  }
0x11e: {  	[tilespmem:s15], [sflag:$0x1] =	stream.indirect.gather [hbm4b:s3+s18], $0x80, s22, s18, $0xb8;
	[tilespmem:$0x10400] =	vst v63  }
0x11f: {  	_ = 	snop  }
0x120: {  	[tilespmem:s14], [sflag:$0x1] =	stream.indirect.gather [hbm4b:s4+s18], $0x80, s23, s18, $0xb8;
	[tilespmem:$0x10400] =	vst v63  }
0x121: {  	_ = 	snop  }
0x122: {  	[tilespmem:s13], [sflag:$0x1] =	stream.indirect.gather [hbm4b:s5+s18], $0x80, s22, s18, $0xb8;
	[tilespmem:$0x10400] =	vst v63  }
0x123: {  	_ = 	snop  }
0x124: {  	[tilespmem:s11], [sflag:$0x1] =	stream.indirect.gather [hbm4b:s6+s18], $0x80, s23, s18, $0xb8;
	[tilespmem:$0x10400] =	vst v63  }
0x125: {  	_ =	swait.ge [sflag:s16], $0x4000  }
0x126: {  	[sflag:s16] =	ssyncset.done $0x0  }
0x127: {  	[sflag:s16] =	ssyncadd.s32 $0xFFFFC000  }
0x128: {  	_ =	swait.ge [sflag:s16], $0x4000  }
0x129: {  	[sflag:s16] =	ssyncset.done $0x0  }
0x12a: {  	[sflag:s16] =	ssyncadd.s32 $0xFFFFC000  }
0x12b: {  	_ =	swait.ge [sflag:s16], $0x4000  }
0x12c: {  	[sflag:s16] =	ssyncset.done $0x0  }
0x12d: {  	[sflag:s16] =	ssyncadd.s32 $0xFFFFC000  }
0x12e: {  	_ =	swait.ge [sflag:s16], $0x4000  }
0x12f: {  	[sflag:s16] =	ssyncset.done $0x0  }
0x130: {  	[sflag:s16] =	ssyncadd.s32 $0xFFFFC000  }
0x131: {  	[hbm4b:s12+s2] =	stream.linear.scatter [tilespmem:s15], [sflag:$0x2], $0x4000, $0x38;
	[tilespmem:$0x10400] =	vst v63  }
0x132: {  	_ =	swait.ge [sflag:s7], $0x4000  }
0x133: {  	[sflag:s7] =	ssyncset.done $0x0  }
0x134: {  	[sflag:s7] =	ssyncadd.s32 $0xFFFFC000  }
0x135: {  	[hbm4b:s10+s2] =	stream.linear.scatter [tilespmem:s14], [sflag:$0x2], $0x4000, $0x38;
	[tilespmem:$0x10400] =	vst v63  }
0x136: {  	_ =	swait.ge [sflag:s7], $0x4000  }
0x137: {  	[sflag:s7] =	ssyncset.done $0x0  }
0x138: {  	[sflag:s7] =	ssyncadd.s32 $0xFFFFC000  }
0x139: {  	[hbm4b:s9+s2] =	stream.linear.scatter [tilespmem:s13], [sflag:$0x2], $0x4000, $0x38;
	[tilespmem:$0x10400] =	vst v63  }
0x13a: {  	p1 =	sne.s32 s0, $0x1;
	_ =	swait.ge [sflag:s7], $0x4000  }
.Ltmp2:
0x13b: {  	[sflag:s7] =	ssyncset.done $0x0;
	(pc) =	sbr.rel @p1 .LBB2_2-.Ltmp2, $4  }
0x13c: {  	[sflag:s7] =	ssyncadd.s32 $0xFFFFC000  }
0x13d: {  	[hbm4b:s8+s2] =	stream.linear.scatter [tilespmem:s11], [sflag:$0x2], $0x4000, $0x38;
	[tilespmem:$0x10400] =	vst v63  }
0x13e: {  	_ =	swait.ge [sflag:s7], $0x4000  }
0x13f: {  	s0 =	sadd.s32 $0xFFFFFFFF, s0;
	s1 =	rddreg [dreg:$0x2];
	[sflag:s7] =	ssyncset.done $0x0  }
.LBB2_3:
0x140: {  	[sflag:s7] =	ssyncadd.s32 @p0 $0xFFFFC000  }
0x141: {  	[tilespmem:s2], [sflag:$0x2] =	stream.linear.gather [hbm4b:s1+s2], $0x200, $0x38;
	[tilespmem:$0x10400] =	vst v63  }
0x142: {  	_ =	swait.ge [sflag:s7], $0x200  }
0x143: {  	[sflag:s7] =	ssyncset.done $0x0  }
0x144: {  	s0 =	rddreg [dreg:$0x3];
	[sflag:s7] =	ssyncadd.s32 $0xFFFFFE00  }
0x145: {  	[tilespmem:s31], [sflag:$0x2] =	stream.linear.gather [hbm4b:s0+s2], $0x200, $0x38;
	[tilespmem:$0x10400] =	vst v63  }
0x146: {  	_ =	swait.ge [sflag:s7], $0x200  }
0x147: {  	[sflag:s7] =	ssyncset.done $0x0  }
0x148: {  	[sflag:s7] =	ssyncadd.s32 $0xFFFFFE00  }
0x149: {  	[tilespmem:s15], [sflag:$0x1] =	stream.indirect.gather [hbm4b:s3+s18], $0x80, s2, s18, $0xb8;
	[tilespmem:$0x10400] =	vst v63  }
0x14a: {  	_ = 	snop  }
0x14b: {  	[tilespmem:s14], [sflag:$0x1] =	stream.indirect.gather [hbm4b:s4+s18], $0x80, s31, s18, $0xb8;
	[tilespmem:$0x10400] =	vst v63  }
0x14c: {  	_ = 	snop  }
0x14d: {  	[tilespmem:s13], [sflag:$0x1] =	stream.indirect.gather [hbm4b:s5+s18], $0x80, s2, s18, $0xb8;
	[tilespmem:$0x10400] =	vst v63  }
0x14e: {  	_ = 	snop  }
0x14f: {  	[tilespmem:s11], [sflag:$0x1] =	stream.indirect.gather [hbm4b:s6+s18], $0x80, s31, s18, $0xb8;
	[tilespmem:$0x10400] =	vst v63  }
0x150: {  	_ =	swait.ge [sflag:s16], $0x4000  }
0x151: {  	[sflag:s16] =	ssyncset.done $0x0  }
0x152: {  	[sflag:s16] =	ssyncadd.s32 $0xFFFFC000  }
0x153: {  	_ =	swait.ge [sflag:s16], $0x4000  }
0x154: {  	[sflag:s16] =	ssyncset.done $0x0  }
0x155: {  	[sflag:s16] =	ssyncadd.s32 $0xFFFFC000  }
0x156: {  	_ =	swait.ge [sflag:s16], $0x4000  }
0x157: {  	[sflag:s16] =	ssyncset.done $0x0  }
0x158: {  	[sflag:s16] =	ssyncadd.s32 $0xFFFFC000  }
0x159: {  	_ =	swait.ge [sflag:s16], $0x4000  }
0x15a: {  	[sflag:s16] =	ssyncset.done $0x0  }
0x15b: {  	s31 =	rddreg [dreg:$0x4];
	[sflag:s16] =	ssyncadd.s32 $0xFFFFC000  }
0x15c: {  	[hbm4b:s31+s2] =	stream.linear.scatter [tilespmem:s15], [sflag:$0x2], $0x4000, $0x38;
	[tilespmem:$0x10400] =	vst v63  }
0x15d: {  	_ =	swait.ge [sflag:s7], $0x4000  }
0x15e: {  	[sflag:s7] =	ssyncset.done $0x0  }
0x15f: {  	s1 =	rddreg [dreg:$0x5];
	[sflag:s7] =	ssyncadd.s32 $0xFFFFC000  }
0x160: {  	[hbm4b:s1+s2] =	stream.linear.scatter [tilespmem:s14], [sflag:$0x2], $0x4000, $0x38;
	[tilespmem:$0x10400] =	vst v63  }
0x161: {  	_ =	swait.ge [sflag:s7], $0x4000  }
0x162: {  	[sflag:s7] =	ssyncset.done $0x0  }
0x163: {  	s31 =	rddreg [dreg:$0x6];
	[sflag:s7] =	ssyncadd.s32 $0xFFFFC000  }
0x164: {  	[hbm4b:s31+s2] =	stream.linear.scatter [tilespmem:s13], [sflag:$0x2], $0x4000, $0x38;
	[tilespmem:$0x10400] =	vst v63  }
0x165: {  	_ =	swait.ge [sflag:s7], $0x4000  }
0x166: {  	[sflag:s7] =	ssyncset.done $0x0  }
0x167: {  	s1 =	rddreg [dreg:$0x7];
	[sflag:s7] =	ssyncadd.s32 $0xFFFFC000  }
0x168: {  	[hbm4b:s1+s2] =	stream.linear.scatter [tilespmem:s11], [sflag:$0x2], $0x4000, $0x38;
	[tilespmem:$0x10400] =	vst v63  }
0x169: {  	_ =	swait.ge [sflag:s7], $0x4000  }
0x16a: {  	[sflag:s7] =	ssyncset.done $0x0  }
0x16b: {  	[sflag:s7] =	ssyncadd.s32 $0xFFFFC000  }
0x16c: {  	[tilespmem:s15], [sflag:$0x1] =	stream.indirect.gather [hbm4b:s3+s18], $0x80, s18, s18, $0xb8;
	[tilespmem:$0x10400] =	vst v63  }
0x16d: {  	_ = 	snop  }
0x16e: {  	[tilespmem:s14], [sflag:$0x1] =	stream.indirect.gather [hbm4b:s4+s18], $0x80, s30, s18, $0xb8;
	[tilespmem:$0x10400] =	vst v63  }
0x16f: {  	_ = 	snop  }
0x170: {  	[tilespmem:s13], [sflag:$0x1] =	stream.indirect.gather [hbm4b:s5+s18], $0x80, s18, s18, $0xb8;
	[tilespmem:$0x10400] =	vst v63  }
0x171: {  	_ = 	snop  }
0x172: {  	[tilespmem:s11], [sflag:$0x1] =	stream.indirect.gather [hbm4b:s6+s18], $0x80, s30, s18, $0xb8;
	[tilespmem:$0x10400] =	vst v63  }
0x173: {  	_ =	swait.ge [sflag:s16], $0x4000  }
0x174: {  	[sflag:s16] =	ssyncset.done $0x0  }
0x175: {  	[sflag:s16] =	ssyncadd.s32 $0xFFFFC000  }
0x176: {  	_ =	swait.ge [sflag:s16], $0x4000  }
0x177: {  	[sflag:s16] =	ssyncset.done $0x0  }
0x178: {  	[sflag:s16] =	ssyncadd.s32 $0xFFFFC000  }
0x179: {  	_ =	swait.ge [sflag:s16], $0x4000  }
0x17a: {  	[sflag:s16] =	ssyncset.done $0x0  }
0x17b: {  	[sflag:s16] =	ssyncadd.s32 $0xFFFFC000  }
0x17c: {  	_ =	swait.ge [sflag:s16], $0x4000  }
0x17d: {  	[sflag:s16] =	ssyncset.done $0x0  }
0x17e: {  	s30 =	rddreg [dreg:$0x8];
	[sflag:s16] =	ssyncadd.s32 $0xFFFFC000  }
0x17f: {  	[hbm4b:s30+s2] =	stream.linear.scatter [tilespmem:s15], [sflag:$0x2], $0x4000, $0x38;
	[tilespmem:$0x10400] =	vst v63  }
0x180: {  	_ =	swait.ge [sflag:s7], $0x4000  }
0x181: {  	[sflag:s7] =	ssyncset.done $0x0  }
0x182: {  	[sflag:s7] =	ssyncadd.s32 $0xFFFFC000  }
0x183: {  	[hbm4b:s26+s2] =	stream.linear.scatter [tilespmem:s14], [sflag:$0x2], $0x4000, $0x38;
	[tilespmem:$0x10400] =	vst v63  }
0x184: {  	_ =	swait.ge [sflag:s7], $0x4000  }
0x185: {  	[sflag:s7] =	ssyncset.done $0x0  }
0x186: {  	[sflag:s7] =	ssyncadd.s32 $0xFFFFC000  }
0x187: {  	[hbm4b:s25+s2] =	stream.linear.scatter [tilespmem:s13], [sflag:$0x2], $0x4000, $0x38;
	[tilespmem:$0x10400] =	vst v63  }
0x188: {  	_ =	swait.ge [sflag:s7], $0x4000  }
0x189: {  	[sflag:s7] =	ssyncset.done $0x0  }
0x18a: {  	[sflag:s7] =	ssyncadd.s32 $0xFFFFC000  }
0x18b: {  	[hbm4b:s24+s2] =	stream.linear.scatter [tilespmem:s11], [sflag:$0x2], $0x4000, $0x38;
	[tilespmem:$0x10400] =	vst v63  }
0x18c: {  	_ =	swait.ge [sflag:s7], $0x4000  }
0x18d: {  	[sflag:s7] =	ssyncset.done $0x0  }
0x18e: {  	[sflag:s7] =	ssyncadd.s32 $0xFFFFC000  }
0x18f: {  	[tilespmem:s15], [sflag:$0x1] =	stream.indirect.gather [hbm4b:s3+s18], $0x80, s28, s18, $0xb8;
	[tilespmem:$0x10400] =	vst v63  }
0x190: {  	_ = 	snop  }
0x191: {  	[tilespmem:s14], [sflag:$0x1] =	stream.indirect.gather [hbm4b:s4+s18], $0x80, s29, s18, $0xb8;
	[tilespmem:$0x10400] =	vst v63  }
0x192: {  	_ = 	snop  }
0x193: {  	[tilespmem:s13], [sflag:$0x1] =	stream.indirect.gather [hbm4b:s5+s18], $0x80, s28, s18, $0xb8;
	[tilespmem:$0x10400] =	vst v63  }
0x194: {  	_ = 	snop  }
0x195: {  	[tilespmem:s11], [sflag:$0x1] =	stream.indirect.gather [hbm4b:s6+s18], $0x80, s29, s18, $0xb8;
	[tilespmem:$0x10400] =	vst v63  }
0x196: {  	_ =	swait.ge [sflag:s16], $0x4000  }
0x197: {  	[sflag:s16] =	ssyncset.done $0x0  }
0x198: {  	[sflag:s16] =	ssyncadd.s32 $0xFFFFC000  }
0x199: {  	_ =	swait.ge [sflag:s16], $0x4000  }
0x19a: {  	[sflag:s16] =	ssyncset.done $0x0  }
0x19b: {  	[sflag:s16] =	ssyncadd.s32 $0xFFFFC000  }
0x19c: {  	_ =	swait.ge [sflag:s16], $0x4000  }
0x19d: {  	[sflag:s16] =	ssyncset.done $0x0  }
0x19e: {  	[sflag:s16] =	ssyncadd.s32 $0xFFFFC000  }
0x19f: {  	_ =	swait.ge [sflag:s16], $0x4000  }
0x1a0: {  	[sflag:s16] =	ssyncset.done $0x0  }
0x1a1: {  	[sflag:s16] =	ssyncadd.s32 $0xFFFFC000  }
0x1a2: {  	[hbm4b:s21+s2] =	stream.linear.scatter [tilespmem:s15], [sflag:$0x2], $0x4000, $0x38;
	[tilespmem:$0x10400] =	vst v63  }
0x1a3: {  	_ =	swait.ge [sflag:s7], $0x4000  }
0x1a4: {  	[sflag:s7] =	ssyncset.done $0x0  }
0x1a5: {  	[sflag:s7] =	ssyncadd.s32 $0xFFFFC000  }
0x1a6: {  	[hbm4b:s20+s2] =	stream.linear.scatter [tilespmem:s14], [sflag:$0x2], $0x4000, $0x38;
	[tilespmem:$0x10400] =	vst v63  }
0x1a7: {  	_ =	swait.ge [sflag:s7], $0x4000  }
0x1a8: {  	[sflag:s7] =	ssyncset.done $0x0  }
0x1a9: {  	[sflag:s7] =	ssyncadd.s32 $0xFFFFC000  }
0x1aa: {  	[hbm4b:s19+s2] =	stream.linear.scatter [tilespmem:s13], [sflag:$0x2], $0x4000, $0x38;
	[tilespmem:$0x10400] =	vst v63  }
0x1ab: {  	_ =	swait.ge [sflag:s7], $0x4000  }
0x1ac: {  	[sflag:s7] =	ssyncset.done $0x0  }
0x1ad: {  	[sflag:s7] =	ssyncadd.s32 $0xFFFFC000  }
0x1ae: {  	[hbm4b:s17+s2] =	stream.linear.scatter [tilespmem:s11], [sflag:$0x2], $0x4000, $0x38;
	[tilespmem:$0x10400] =	vst v63  }
0x1af: {  	_ =	swait.ge [sflag:s7], $0x4000  }
0x1b0: {  	[sflag:s7] =	ssyncset.done $0x0  }
0x1b1: {  	[sflag:s7] =	ssyncadd.s32 $0xFFFFC000  }
0x1b2: {  	[tilespmem:s15], [sflag:$0x1] =	stream.indirect.gather [hbm4b:s3+s18], $0x80, s22, s18, $0xb8;
	[tilespmem:$0x10400] =	vst v63  }
0x1b3: {  	_ = 	snop  }
0x1b4: {  	[tilespmem:s14], [sflag:$0x1] =	stream.indirect.gather [hbm4b:s4+s18], $0x80, s23, s18, $0xb8;
	[tilespmem:$0x10400] =	vst v63  }
0x1b5: {  	_ = 	snop  }
0x1b6: {  	[tilespmem:s13], [sflag:$0x1] =	stream.indirect.gather [hbm4b:s5+s18], $0x80, s22, s18, $0xb8;
	[tilespmem:$0x10400] =	vst v63  }
0x1b7: {  	_ = 	snop  }
0x1b8: {  	[tilespmem:s11], [sflag:$0x1] =	stream.indirect.gather [hbm4b:s6+s18], $0x80, s23, s18, $0xb8;
	[tilespmem:$0x10400] =	vst v63  }
0x1b9: {  	_ =	swait.ge [sflag:s16], $0x4000  }
0x1ba: {  	[sflag:s16] =	ssyncset.done $0x0  }
0x1bb: {  	[sflag:s16] =	ssyncadd.s32 $0xFFFFC000  }
0x1bc: {  	_ =	swait.ge [sflag:s16], $0x4000  }
0x1bd: {  	[sflag:s16] =	ssyncset.done $0x0  }
0x1be: {  	[sflag:s16] =	ssyncadd.s32 $0xFFFFC000  }
0x1bf: {  	_ =	swait.ge [sflag:s16], $0x4000  }
0x1c0: {  	[sflag:s16] =	ssyncset.done $0x0  }
0x1c1: {  	[sflag:s16] =	ssyncadd.s32 $0xFFFFC000  }
0x1c2: {  	_ =	swait.ge [sflag:s16], $0x4000  }
0x1c3: {  	[sflag:s16] =	ssyncset.done $0x0  }
0x1c4: {  	[sflag:s16] =	ssyncadd.s32 $0xFFFFC000  }
0x1c5: {  	[hbm4b:s12+s2] =	stream.linear.scatter [tilespmem:s15], [sflag:$0x2], $0x4000, $0x38;
	[tilespmem:$0x10400] =	vst v63  }
0x1c6: {  	_ =	swait.ge [sflag:s7], $0x4000  }
0x1c7: {  	[sflag:s7] =	ssyncset.done $0x0  }
0x1c8: {  	[sflag:s7] =	ssyncadd.s32 $0xFFFFC000  }
0x1c9: {  	[hbm4b:s10+s2] =	stream.linear.scatter [tilespmem:s14], [sflag:$0x2], $0x4000, $0x38;
	[tilespmem:$0x10400] =	vst v63  }
0x1ca: {  	_ =	swait.ge [sflag:s7], $0x4000  }
0x1cb: {  	[sflag:s7] =	ssyncset.done $0x0  }
0x1cc: {  	[sflag:s7] =	ssyncadd.s32 $0xFFFFC000  }
0x1cd: {  	[hbm4b:s9+s2] =	stream.linear.scatter [tilespmem:s13], [sflag:$0x2], $0x4000, $0x38;
	[tilespmem:$0x10400] =	vst v63  }
0x1ce: {  	_ =	swait.ge [sflag:s7], $0x4000  }
0x1cf: {  	[sflag:s7] =	ssyncset.done $0x0  }
0x1d0: {  	[sflag:s7] =	ssyncadd.s32 $0xFFFFC000  }
0x1d1: {  	[hbm4b:s8+s2] =	stream.linear.scatter [tilespmem:s11], [sflag:$0x2], $0x4000, $0x38;
	[tilespmem:$0x10400] =	vst v63  }
0x1d2: {  	_ =	swait.ge [sflag:s7], $0x4000  }
0x1d3: {  	[sflag:s7] =	ssyncset.done $0x0  }
0x1d4: {  	[sflag:s7] =	ssyncadd.s32 $0xFFFFC000  }
0x1d5: {  	_ =	sfence.sel $0x180000  }
0x1d6: {  	[bflag:$0x0] =	sbarrier.arrive $0xFFFF  }
0x1d7: {  	_ =	strace $0x90000047  }
0x1d8: {  	s31 =	stileid.u32;
	[bflag:$0x2] =	sbarrier.arrive $0xFFFF  }
0x1d9: {  	p0 =	sne.s32 s31, $0x0;
	s0 =	rddreg [dreg:$0x1]  }
0x1da: {  	s0 =	sadd.s32 @!p0 $0x100000, s0  }
0x1db: {  	[sflag:s0] =	ssyncadd.tile.s32 @!p0 $0x1;
	_ =	shalt  }
.Lfunc_end2:
_tile_overlayer_lowered:
.L_overlay_start_2:
0x1dc: {  	(tag) =	ssettag $0x2  }
0x1dd: {  	s0 =	rddreg [dreg:$0x0];
	s2 =	stileid.u32  }
0x1de: {  	s1 =	rddreg [dreg:$0x1];
	p0 =	sne.s32 s2, $0x0  }
0x1df: {  	s3 =	rddreg [dreg:$0x2];
	[bflag:$0x3] =	sbarrier.arrive $0xFFFF;
	s2 =	simm.s32 @!p0 $0x1C02  }
0x1e0: {  	[timem:s3], [sflag:s2] =	dma.local @!p0 [hbm:s0], s1  }
0x1e1: {  	s0 =	simm.s32 @!p0 $0x2  }
0x1e2: {  	_ =	swait.ge @!p0 [sflag:s0], s1  }
0x1e3: {  	s1 =	ssub.s32 @!p0 $0x0, s1;
	[sflag:s0] =	ssyncset.done @!p0 $0x0  }
0x1e4: {  	[sflag:s0] =	ssyncadd.s32 @!p0 s1  }
0x1e5: {  	[bflag:$0x3] =	sbarrier.arrive $0xFFFF  }
0x1e6: {  	_ =	shalt  }

</sc_bundles>
